<compile_context>
chip_gen: v7x
topology: tpu7x:2x2x1
jax: 0.10.2.dev20260603
libtpu: 0.0.44.dev20260713+nightly
codegen_flags: <defaults>
</compile_context>

<pallas_src>
import functools

import jax
import jax.numpy as jnp
from jax import lax
from jax.experimental import pallas as pl
from jax.experimental.pallas import tpu as pltpu
from jax.experimental.pallas import tpu_sc as plsc

_NBUF = 8
_LEAD = 4


def kernel(inputs, token_table, pos_table):
    B, L = inputs.shape
    V, D = token_table.shape
    R = B * L

    info = plsc.get_sparse_core_info()
    NC, NS = info.num_cores, info.num_subcores
    NW = NC * NS

    rows_per_w = R // NW
    CH = 100
    n_chunks = rows_per_w // CH
    assert rows_per_w % L == 0 and L % CH == 0 and rows_per_w % CH == 0
    assert n_chunks % _NBUF == 0
    SPC = L // CH
    NV = D // 16

    idx = inputs.reshape(NW, n_chunks, CH).astype(jnp.int32)

    mesh = plsc.VectorSubcoreMesh(core_axis_name="c", subcore_axis_name="s")

    @functools.partial(
        pl.kernel,
        out_type=jax.ShapeDtypeStruct((B, L, D), jnp.float32),
        mesh=mesh,
        compiler_params=pltpu.CompilerParams(use_tc_tiling_on_sc=False),
        scratch_types=[
            pltpu.VMEM((n_chunks, CH), jnp.int32),
            pltpu.VMEM((L, D), jnp.float32),
        ]
        + [pltpu.VMEM((CH, D), jnp.float32)] * _NBUF
        + [pltpu.SemaphoreType.DMA] * (2 * _NBUF),
    )
    def emb_kernel(idx_hbm, tab_hbm, pos_hbm, out_hbm, idx_v, pos_v, *rest):
        bufs = rest[:_NBUF]
        gsems = rest[_NBUF : 2 * _NBUF]
        osems = rest[2 * _NBUF : 3 * _NBUF]

        wid = lax.axis_index("s") * NC + lax.axis_index("c")
        cbase = wid * n_chunks
        pltpu.sync_copy(idx_hbm.at[wid], idx_v)
        pltpu.sync_copy(pos_hbm, pos_v)

        def start_gather(g, b):
            pltpu.async_copy(tab_hbm.at[idx_v.at[g]], bufs[b], gsems[b])

        def wait_gather(g, b):
            pltpu.make_async_copy(tab_hbm.at[idx_v.at[g]], bufs[b], gsems[b]).wait()

        def out_slice(g):
            gg = cbase + g
            return out_hbm.at[gg // SPC, pl.ds(lax.rem(gg, SPC) * CH, CH)]

        def start_out(g, b):
            pltpu.async_copy(bufs[b], out_slice(g), osems[b])

        def wait_out(g, b):
            pltpu.make_async_copy(bufs[b], out_slice(g), osems[b]).wait()

        for b in range(_LEAD):
            start_gather(b, b)

        @pl.loop(0, n_chunks, step=_NBUF)
        def _outer(g0):
            for b in range(_NBUF):
                g = g0 + b
                bn = (b + _LEAD) % _NBUF
                if b < _LEAD:

                    @pl.when(g0 > 0)
                    def _():
                        wait_out(g - _LEAD, bn)

                    start_gather(g + _LEAD, bn)
                else:
                    wait_out(g - _LEAD, bn)

                    @pl.when(g0 < n_chunks - _NBUF)
                    def _():
                        start_gather(g + _LEAD, bn)

                wait_gather(g, b)
                pbase = lax.rem(g, SPC) * CH

                @pl.loop(0, CH, unroll=2)
                def _row(r):
                    for c in range(NV):
                        sl = pl.ds(c * 16, 16)
                        plsc.addupdate(bufs[b].at[r, sl], pos_v[pbase + r, sl])

                start_out(g, b)

        for i in range(_LEAD):
            g = n_chunks - _LEAD + i
            wait_out(g, g % _NBUF)

    return emb_kernel(idx, token_table, pos_table)

# --- scband reference (transcript-rebuilt; emitter-appended) ---
"""Pipeline reference for scband-position-embedding-56032143344071 (READ-ONLY COPY).

The authoritative reference and input builder live on the scoring server;
editing this copy changes nothing except your own understanding.
"""

import jax, jax.numpy as jnp
import numpy as np

SEQ_LEN = 200
VOCAB = 100000
EMBD = 64
BATCH = 4096

def setup_inputs(seed: int = 0) -> dict:
    key = jax.random.key(seed)
    k1, k2, k3 = jax.random.split(key, 3)
    inputs = jax.random.randint(k1, (BATCH, SEQ_LEN), 0, VOCAB, dtype=jnp.int64 if jax.config.jax_enable_x64 else jnp.int32)
    token_table = jax.random.normal(k2, (VOCAB, EMBD), dtype=jnp.float32) * 0.02
    pos_table = jax.random.normal(k3, (SEQ_LEN, EMBD), dtype=jnp.float32) * 0.02
    return {"inputs": inputs, "token_table": token_table, "pos_table": pos_table}

def reference(inputs, token_table, pos_table):
    # PositionEmbedding.call: token embedding lookup + position embedding broadcast-add
    length = inputs.shape[-1]
    positions = jnp.arange(0, length)
    embd_tokens = jnp.take(token_table, inputs, axis=0)          # [B, L, D]
    embd_positions = jnp.take(pos_table, positions, axis=0)      # [L, D]
    return embd_tokens + embd_positions[None, :, :]

if __name__ == "__main__":
    import jax
    _d = setup_inputs()
    print(jax.jit(kernel)(*tuple(_d.values())))

</pallas_src>

<mosaic_0001>
#map = affine_map<(d0, d1) -> (0, 0, 0)>
#map1 = affine_map<(d0, d1) -> (0, 0)>
module attributes {stable_mosaic.version = 14 : i64} {
  func.func @emb_kernel(%arg0: i32, %arg1: i32, %arg2: memref<32x256x100xi32, #tpu.memory_space<hbm>>, %arg3: memref<100000x64xf32, #tpu.memory_space<hbm>>, %arg4: memref<200x64xf32, #tpu.memory_space<hbm>>, %arg5: memref<4096x200x64xf32, #tpu.memory_space<hbm>>, %arg6: memref<256x100xi32, #tpu.memory_space<vmem>>, %arg7: memref<200x64xf32, #tpu.memory_space<vmem>>, %arg8: memref<100x64xf32, #tpu.memory_space<vmem>>, %arg9: memref<100x64xf32, #tpu.memory_space<vmem>>, %arg10: memref<100x64xf32, #tpu.memory_space<vmem>>, %arg11: memref<100x64xf32, #tpu.memory_space<vmem>>, %arg12: memref<100x64xf32, #tpu.memory_space<vmem>>, %arg13: memref<100x64xf32, #tpu.memory_space<vmem>>, %arg14: memref<100x64xf32, #tpu.memory_space<vmem>>, %arg15: memref<100x64xf32, #tpu.memory_space<vmem>>, %arg16: memref<!tpu.dma_semaphore, #tpu.memory_space<semaphore_mem>>, %arg17: memref<!tpu.dma_semaphore, #tpu.memory_space<semaphore_mem>>, %arg18: memref<!tpu.dma_semaphore, #tpu.memory_space<semaphore_mem>>, %arg19: memref<!tpu.dma_semaphore, #tpu.memory_space<semaphore_mem>>, %arg20: memref<!tpu.dma_semaphore, #tpu.memory_space<semaphore_mem>>, %arg21: memref<!tpu.dma_semaphore, #tpu.memory_space<semaphore_mem>>, %arg22: memref<!tpu.dma_semaphore, #tpu.memory_space<semaphore_mem>>, %arg23: memref<!tpu.dma_semaphore, #tpu.memory_space<semaphore_mem>>, %arg24: memref<!tpu.dma_semaphore, #tpu.memory_space<semaphore_mem>>, %arg25: memref<!tpu.dma_semaphore, #tpu.memory_space<semaphore_mem>>, %arg26: memref<!tpu.dma_semaphore, #tpu.memory_space<semaphore_mem>>, %arg27: memref<!tpu.dma_semaphore, #tpu.memory_space<semaphore_mem>>, %arg28: memref<!tpu.dma_semaphore, #tpu.memory_space<semaphore_mem>>, %arg29: memref<!tpu.dma_semaphore, #tpu.memory_space<semaphore_mem>>, %arg30: memref<!tpu.dma_semaphore, #tpu.memory_space<semaphore_mem>>, %arg31: memref<!tpu.dma_semaphore, #tpu.memory_space<semaphore_mem>>) attributes {dimension_semantics = [#tpu.dimension_semantics<core_parallel>, #tpu.dimension_semantics<subcore_parallel>], iteration_bounds = array<i64: 2, 16>, scalar_prefetch = 0 : i64, scratch_operands = 26 : i64, tpu.core_type = #tpu.core_type<sc_vector_subcore>, window_params = [{transform_indices = #map}, {transform_indices = #map1}, {transform_indices = #map1}, {transform_indices = #map}]} {
    %mul3A = arith.constant 2 : i32
    %mul3A_0 = arith.muli %arg1, %mul3A : i32
    %add3A = arith.addi %mul3A_0, %arg0 : i32
    %mul3A_1 = arith.constant 256 : i32
    %mul3A_2 = arith.muli %add3A, %mul3A_1 : i32
    "tpu.region"() ({
      %run_scoped3A = tpu.sem_alloc : memref<!tpu.dma_semaphore, #tpu.memory_space<semaphore_mem>>
      %dma_start3A_169 = arith.constant 0 : i32
      %dma_start3A_170 = arith.constant 0 : i32
      %dma_start3A_171 = tpu.memref_slice %arg2[%add3A, %dma_start3A_169, %dma_start3A_170] : memref<32x256x100xi32, #tpu.memory_space<hbm>> -> memref<1x256x100xi32, #tpu.memory_space<hbm>>
      %dma_start3A_172 = tpu.memref_squeeze %dma_start3A_171 : memref<1x256x100xi32, #tpu.memory_space<hbm>> -> memref<256x100xi32, #tpu.memory_space<hbm>>
      %dma_start3A_173 = arith.constant 0 : i32
      %dma_start3A_174 = arith.constant 0 : i32
      %dma_start3A_175 = tpu.memref_slice %arg2[%add3A, %dma_start3A_173, %dma_start3A_174] : memref<32x256x100xi32, #tpu.memory_space<hbm>> -> memref<1x256x100xi32, #tpu.memory_space<hbm>>
      %dma_start3A_176 = tpu.memref_squeeze %dma_start3A_175 : memref<1x256x100xi32, #tpu.memory_space<hbm>> -> memref<256x100xi32, #tpu.memory_space<hbm>>
      tpu.enqueue_dma source(%dma_start3A_176 : memref<256x100xi32, #tpu.memory_space<hbm>>) target(%arg6 : memref<256x100xi32, #tpu.memory_space<vmem>>) target_semaphore(%run_scoped3A : memref<!tpu.dma_semaphore, #tpu.memory_space<semaphore_mem>>)
      %dma_wait3A_177 = arith.constant 0 : i32
      %dma_wait3A_178 = arith.constant 0 : i32
      %dma_wait3A_179 = tpu.memref_slice %arg2[%add3A, %dma_wait3A_177, %dma_wait3A_178] : memref<32x256x100xi32, #tpu.memory_space<hbm>> -> memref<1x256x100xi32, #tpu.memory_space<hbm>>
      %dma_wait3A_180 = tpu.memref_squeeze %dma_wait3A_179 : memref<1x256x100xi32, #tpu.memory_space<hbm>> -> memref<256x100xi32, #tpu.memory_space<hbm>>
      %dma_wait3A_181 = arith.constant 0 : i32
      %dma_wait3A_182 = arith.constant 0 : i32
      %dma_wait3A_183 = tpu.memref_slice %arg2[%add3A, %dma_wait3A_181, %dma_wait3A_182] : memref<32x256x100xi32, #tpu.memory_space<hbm>> -> memref<1x256x100xi32, #tpu.memory_space<hbm>>
      %dma_wait3A_184 = tpu.memref_squeeze %dma_wait3A_183 : memref<1x256x100xi32, #tpu.memory_space<hbm>> -> memref<256x100xi32, #tpu.memory_space<hbm>>
      tpu.wait_dma2 semaphore(%run_scoped3A : memref<!tpu.dma_semaphore, #tpu.memory_space<semaphore_mem>>) src(%dma_wait3A_184 : memref<256x100xi32, #tpu.memory_space<hbm>>) dst(%arg6 : memref<256x100xi32, #tpu.memory_space<vmem>>)
      tpu.yield
    }) : () -> ()
    "tpu.region"() ({
      %run_scoped3A = tpu.sem_alloc : memref<!tpu.dma_semaphore, #tpu.memory_space<semaphore_mem>>
      tpu.enqueue_dma source(%arg4 : memref<200x64xf32, #tpu.memory_space<hbm>>) target(%arg7 : memref<200x64xf32, #tpu.memory_space<vmem>>) target_semaphore(%run_scoped3A : memref<!tpu.dma_semaphore, #tpu.memory_space<semaphore_mem>>)
      tpu.wait_dma2 semaphore(%run_scoped3A : memref<!tpu.dma_semaphore, #tpu.memory_space<semaphore_mem>>) src(%arg4 : memref<200x64xf32, #tpu.memory_space<hbm>>) dst(%arg7 : memref<200x64xf32, #tpu.memory_space<vmem>>)
      tpu.yield
    }) : () -> ()
    %dma_start3A = arith.constant 0 : i32
    %dma_start3A_3 = arith.constant 0 : i32
    %dma_start3A_4 = tpu.memref_slice %arg6[%dma_start3A, %dma_start3A_3] : memref<256x100xi32, #tpu.memory_space<vmem>> -> memref<1x100xi32, #tpu.memory_space<vmem>>
    %dma_start3A_5 = tpu.memref_squeeze %dma_start3A_4 : memref<1x100xi32, #tpu.memory_space<vmem>> -> memref<100xi32, #tpu.memory_space<vmem>>
    %dma_start3A_6 = arith.constant 0 : i32
    %dma_start3A_7 = arith.constant 0 : i32
    %dma_start3A_8 = tpu.memref_slice %arg3[%dma_start3A_6, %dma_start3A_7] : memref<100000x64xf32, #tpu.memory_space<hbm>> -> memref<100000x64xf32, #tpu.memory_space<hbm>>
    tpu.enqueue_indirect_dma source(%dma_start3A_8 : memref<100000x64xf32, #tpu.memory_space<hbm>>) target(%arg8 : memref<100x64xf32, #tpu.memory_space<vmem>>) offsets(%dma_start3A_5 : memref<100xi32, #tpu.memory_space<vmem>>) semaphore(%arg16 : memref<!tpu.dma_semaphore, #tpu.memory_space<semaphore_mem>>)
    %dma_start3A_9 = arith.constant 1 : i32
    %dma_start3A_10 = arith.constant 0 : i32
    %dma_start3A_11 = tpu.memref_slice %arg6[%dma_start3A_9, %dma_start3A_10] : memref<256x100xi32, #tpu.memory_space<vmem>> -> memref<1x100xi32, #tpu.memory_space<vmem>>
    %dma_start3A_12 = tpu.memref_squeeze %dma_start3A_11 : memref<1x100xi32, #tpu.memory_space<vmem>> -> memref<100xi32, #tpu.memory_space<vmem>>
    %dma_start3A_13 = arith.constant 0 : i32
    %dma_start3A_14 = arith.constant 0 : i32
    %dma_start3A_15 = tpu.memref_slice %arg3[%dma_start3A_13, %dma_start3A_14] : memref<100000x64xf32, #tpu.memory_space<hbm>> -> memref<100000x64xf32, #tpu.memory_space<hbm>>
    tpu.enqueue_indirect_dma source(%dma_start3A_15 : memref<100000x64xf32, #tpu.memory_space<hbm>>) target(%arg9 : memref<100x64xf32, #tpu.memory_space<vmem>>) offsets(%dma_start3A_12 : memref<100xi32, #tpu.memory_space<vmem>>) semaphore(%arg17 : memref<!tpu.dma_semaphore, #tpu.memory_space<semaphore_mem>>)
    %dma_start3A_16 = arith.constant 2 : i32
    %dma_start3A_17 = arith.constant 0 : i32
    %dma_start3A_18 = tpu.memref_slice %arg6[%dma_start3A_16, %dma_start3A_17] : memref<256x100xi32, #tpu.memory_space<vmem>> -> memref<1x100xi32, #tpu.memory_space<vmem>>
    %dma_start3A_19 = tpu.memref_squeeze %dma_start3A_18 : memref<1x100xi32, #tpu.memory_space<vmem>> -> memref<100xi32, #tpu.memory_space<vmem>>
    %dma_start3A_20 = arith.constant 0 : i32
    %dma_start3A_21 = arith.constant 0 : i32
    %dma_start3A_22 = tpu.memref_slice %arg3[%dma_start3A_20, %dma_start3A_21] : memref<100000x64xf32, #tpu.memory_space<hbm>> -> memref<100000x64xf32, #tpu.memory_space<hbm>>
    tpu.enqueue_indirect_dma source(%dma_start3A_22 : memref<100000x64xf32, #tpu.memory_space<hbm>>) target(%arg10 : memref<100x64xf32, #tpu.memory_space<vmem>>) offsets(%dma_start3A_19 : memref<100xi32, #tpu.memory_space<vmem>>) semaphore(%arg18 : memref<!tpu.dma_semaphore, #tpu.memory_space<semaphore_mem>>)
    %dma_start3A_23 = arith.constant 3 : i32
    %dma_start3A_24 = arith.constant 0 : i32
    %dma_start3A_25 = tpu.memref_slice %arg6[%dma_start3A_23, %dma_start3A_24] : memref<256x100xi32, #tpu.memory_space<vmem>> -> memref<1x100xi32, #tpu.memory_space<vmem>>
    %dma_start3A_26 = tpu.memref_squeeze %dma_start3A_25 : memref<1x100xi32, #tpu.memory_space<vmem>> -> memref<100xi32, #tpu.memory_space<vmem>>
    %dma_start3A_27 = arith.constant 0 : i32
    %dma_start3A_28 = arith.constant 0 : i32
    %dma_start3A_29 = tpu.memref_slice %arg3[%dma_start3A_27, %dma_start3A_28] : memref<100000x64xf32, #tpu.memory_space<hbm>> -> memref<100000x64xf32, #tpu.memory_space<hbm>>
    tpu.enqueue_indirect_dma source(%dma_start3A_29 : memref<100000x64xf32, #tpu.memory_space<hbm>>) target(%arg11 : memref<100x64xf32, #tpu.memory_space<vmem>>) offsets(%dma_start3A_26 : memref<100xi32, #tpu.memory_space<vmem>>) semaphore(%arg19 : memref<!tpu.dma_semaphore, #tpu.memory_space<semaphore_mem>>)
    %scan3A = arith.constant 0 : i32
    %scan3A_30 = arith.constant 32 : i32
    %scan3A_31 = arith.addi %scan3A, %scan3A_30 : i32
    %scan3A_32 = arith.constant 1 : i32
    scf.for %scan3A_169 = %scan3A to %scan3A_31 step %scan3A_32  : i32 {
      %mul3A_170 = arith.constant 8 : i32
      %mul3A_171 = arith.muli %scan3A_169, %mul3A_170 : i32
      %add3A_172 = arith.constant 0 : i32
      %add3A_173 = arith.addi %add3A_172, %mul3A_171 : i32
      %add3A_174 = arith.constant 0 : i32
      %add3A_175 = arith.addi %add3A_173, %add3A_174 : i32
      %gt3A = arith.constant 0 : i32
      %gt3A_176 = arith.cmpi sgt, %add3A_173, %gt3A : i32
      %convert_element_type3A = arith.extui %gt3A_176 : i1 to i32
      %cond3A = arith.constant 0 : i32
      %cond3A_177 = arith.cmpi ne, %convert_element_type3A, %cond3A : i32
      scf.if %cond3A_177 {
        %sub3A_806 = arith.constant 4 : i32
        %sub3A_807 = arith.subi %add3A_175, %sub3A_806 : i32
        %add3A_808 = arith.addi %mul3A_2, %sub3A_807 : i32
        %jit3A_809 = arith.constant 2 : i32
        %div3A_810 = arith.divsi %add3A_808, %jit3A_809 : i32
        %sign3A_811 = arith.constant 0 : i32
        %sign3A_812 = arith.cmpi sgt, %add3A_808, %sign3A_811 : i32
        %sign3A_813 = arith.extui %sign3A_812 : i1 to i32
        %sign3A_814 = arith.constant 0 : i32
        %sign3A_815 = arith.cmpi slt, %add3A_808, %sign3A_814 : i32
        %sign3A_816 = arith.extui %sign3A_815 : i1 to i32
        %sign3A_817 = arith.subi %sign3A_813, %sign3A_816 : i32
        %sign3A_818 = arith.constant 0 : i32
        %sign3A_819 = arith.cmpi sgt, %jit3A_809, %sign3A_818 : i32
        %sign3A_820 = arith.extui %sign3A_819 : i1 to i32
        %sign3A_821 = arith.constant 0 : i32
        %sign3A_822 = arith.cmpi slt, %jit3A_809, %sign3A_821 : i32
        %sign3A_823 = arith.extui %sign3A_822 : i1 to i32
        %sign3A_824 = arith.subi %sign3A_820, %sign3A_823 : i32
        %ne3A_825 = arith.cmpi ne, %sign3A_817, %sign3A_824 : i32
        %rem3A_826 = arith.remsi %add3A_808, %jit3A_809 : i32
        %ne3A_827 = arith.constant 0 : i32
        %ne3A_828 = arith.cmpi ne, %rem3A_826, %ne3A_827 : i32
        %and3A_829 = arith.andi %ne3A_825, %ne3A_828 : i1
        %sub3A_830 = arith.constant 1 : i32
        %sub3A_831 = arith.subi %div3A_810, %sub3A_830 : i32
        %select_n3A_832 = arith.select %and3A_829, %sub3A_831, %div3A_810 : i32
        %rem3A_833 = arith.constant 2 : i32
        %rem3A_834 = arith.remsi %add3A_808, %rem3A_833 : i32
        %mul3A_835 = arith.constant 100 : i32
        %mul3A_836 = arith.muli %rem3A_834, %mul3A_835 : i32
        %dma_wait3A_837 = arith.constant 0 : i32
        %dma_wait3A_838 = tpu.memref_slice %arg5[%select_n3A_832, %mul3A_836, %dma_wait3A_837] : memref<4096x200x64xf32, #tpu.memory_space<hbm>> -> memref<1x100x64xf32, #tpu.memory_space<hbm>>
        %dma_wait3A_839 = tpu.memref_squeeze %dma_wait3A_838 : memref<1x100x64xf32, #tpu.memory_space<hbm>> -> memref<100x64xf32, #tpu.memory_space<hbm>>
        %dma_wait3A_840 = arith.constant 0 : i32
        %dma_wait3A_841 = tpu.memref_slice %arg5[%select_n3A_832, %mul3A_836, %dma_wait3A_840] : memref<4096x200x64xf32, #tpu.memory_space<hbm>> -> memref<1x100x64xf32, #tpu.memory_space<hbm>>
        %dma_wait3A_842 = tpu.memref_squeeze %dma_wait3A_841 : memref<1x100x64xf32, #tpu.memory_space<hbm>> -> memref<100x64xf32, #tpu.memory_space<hbm>>
        tpu.wait_dma2 semaphore(%arg28 : memref<!tpu.dma_semaphore, #tpu.memory_space<semaphore_mem>>) src(%arg12 : memref<100x64xf32, #tpu.memory_space<vmem>>) dst(%dma_wait3A_842 : memref<100x64xf32, #tpu.memory_space<hbm>>)
      } else {
      }
      %add3A_178 = arith.constant 4 : i32
      %add3A_179 = arith.addi %add3A_175, %add3A_178 : i32
      %dma_start3A_180 = arith.constant 0 : i32
      %dma_start3A_181 = tpu.memref_slice %arg6[%add3A_179, %dma_start3A_180] : memref<256x100xi32, #tpu.memory_space<vmem>> -> memref<1x100xi32, #tpu.memory_space<vmem>>
      %dma_start3A_182 = tpu.memref_squeeze %dma_start3A_181 : memref<1x100xi32, #tpu.memory_space<vmem>> -> memref<100xi32, #tpu.memory_space<vmem>>
      %dma_start3A_183 = arith.constant 0 : i32
      %dma_start3A_184 = arith.constant 0 : i32
      %dma_start3A_185 = tpu.memref_slice %arg3[%dma_start3A_183, %dma_start3A_184] : memref<100000x64xf32, #tpu.memory_space<hbm>> -> memref<100000x64xf32, #tpu.memory_space<hbm>>
      tpu.enqueue_indirect_dma source(%dma_start3A_185 : memref<100000x64xf32, #tpu.memory_space<hbm>>) target(%arg12 : memref<100x64xf32, #tpu.memory_space<vmem>>) offsets(%dma_start3A_182 : memref<100xi32, #tpu.memory_space<vmem>>) semaphore(%arg20 : memref<!tpu.dma_semaphore, #tpu.memory_space<semaphore_mem>>)
      %dma_wait3A_186 = arith.constant 0 : i32
      %dma_wait3A_187 = tpu.memref_slice %arg6[%add3A_175, %dma_wait3A_186] : memref<256x100xi32, #tpu.memory_space<vmem>> -> memref<1x100xi32, #tpu.memory_space<vmem>>
      %dma_wait3A_188 = tpu.memref_squeeze %dma_wait3A_187 : memref<1x100xi32, #tpu.memory_space<vmem>> -> memref<100xi32, #tpu.memory_space<vmem>>
      %dma_wait3A_189 = arith.constant 0 : i32
      %dma_wait3A_190 = arith.constant 0 : i32
      %dma_wait3A_191 = tpu.memref_slice %arg3[%dma_wait3A_189, %dma_wait3A_190] : memref<100000x64xf32, #tpu.memory_space<hbm>> -> memref<100000x64xf32, #tpu.memory_space<hbm>>
      tpu.wait_indirect_dma semaphore(%arg16 : memref<!tpu.dma_semaphore, #tpu.memory_space<semaphore_mem>>) src(%dma_wait3A_191 : memref<100000x64xf32, #tpu.memory_space<hbm>>) dst(%arg8 : memref<100x64xf32, #tpu.memory_space<vmem>>)
      %rem3A_192 = arith.constant 2 : i32
      %rem3A_193 = arith.remsi %add3A_175, %rem3A_192 : i32
      %mul3A_194 = arith.constant 100 : i32
      %mul3A_195 = arith.muli %rem3A_193, %mul3A_194 : i32
      %scan3A_196 = arith.constant 0 : i32
      %scan3A_197 = arith.constant 100 : i32
      %scan3A_198 = arith.addi %scan3A_196, %scan3A_197 : i32
      %scan3A_199 = arith.constant 2 : i32
      scf.for %scan3A_806 = %scan3A_196 to %scan3A_198 step %scan3A_199  : i32 {
        %mul3A_807 = arith.constant 1 : i32
        %mul3A_808 = arith.muli %scan3A_806, %mul3A_807 : i32
        %add3A_809 = arith.constant 0 : i32
        %add3A_810 = arith.addi %add3A_809, %mul3A_808 : i32
        %add3A_811 = arith.addi %mul3A_195, %add3A_810 : i32
        %get3A = arith.index_cast %add3A_811 : i32 to index
        %get3A_812 = arith.constant 0 : index
        %get3A_813 = tpu.vector_load %arg7[%get3A, %get3A_812] {strides = array<i32>} : memref<200x64xf32, #tpu.memory_space<vmem>>, vector<1x16xf32>,
        %get3A_814 = vector.shape_cast %get3A_813 : vector<1x16xf32> to vector<16xf32>
        %swap3A = arith.index_cast %add3A_810 : i32 to index
        %swap3A_815 = arith.constant 0 : index
        %swap3A_816 = tpu.vector_load %arg8[%swap3A, %swap3A_815] {strides = array<i32>} : memref<100x64xf32, #tpu.memory_space<vmem>>, vector<1x16xf32>,
        %swap3A_817 = vector.shape_cast %swap3A_816 : vector<1x16xf32> to vector<16xf32>
        %swap3A_818 = vector.shape_cast %get3A_814 : vector<16xf32> to vector<1x16xf32>
        tpu.vector_store %arg8[%swap3A, %swap3A_815], %swap3A_818 {add = true, strides = array<i32>} : memref<100x64xf32, #tpu.memory_space<vmem>>, vector<1x16xf32>,
        %add3A_819 = arith.addi %mul3A_195, %add3A_810 : i32
        %get3A_820 = arith.index_cast %add3A_819 : i32 to index
        %get3A_821 = arith.constant 16 : index
        %get3A_822 = tpu.vector_load %arg7[%get3A_820, %get3A_821] {strides = array<i32>} : memref<200x64xf32, #tpu.memory_space<vmem>>, vector<1x16xf32>,
        %get3A_823 = vector.shape_cast %get3A_822 : vector<1x16xf32> to vector<16xf32>
        %swap3A_824 = arith.index_cast %add3A_810 : i32 to index
        %swap3A_825 = arith.constant 16 : index
        %swap3A_826 = tpu.vector_load %arg8[%swap3A_824, %swap3A_825] {strides = array<i32>} : memref<100x64xf32, #tpu.memory_space<vmem>>, vector<1x16xf32>,
        %swap3A_827 = vector.shape_cast %swap3A_826 : vector<1x16xf32> to vector<16xf32>
        %swap3A_828 = vector.shape_cast %get3A_823 : vector<16xf32> to vector<1x16xf32>
        tpu.vector_store %arg8[%swap3A_824, %swap3A_825], %swap3A_828 {add = true, strides = array<i32>} : memref<100x64xf32, #tpu.memory_space<vmem>>, vector<1x16xf32>,
        %add3A_829 = arith.addi %mul3A_195, %add3A_810 : i32
        %get3A_830 = arith.index_cast %add3A_829 : i32 to index
        %get3A_831 = arith.constant 32 : index
        %get3A_832 = tpu.vector_load %arg7[%get3A_830, %get3A_831] {strides = array<i32>} : memref<200x64xf32, #tpu.memory_space<vmem>>, vector<1x16xf32>,
        %get3A_833 = vector.shape_cast %get3A_832 : vector<1x16xf32> to vector<16xf32>
        %swap3A_834 = arith.index_cast %add3A_810 : i32 to index
        %swap3A_835 = arith.constant 32 : index
        %swap3A_836 = tpu.vector_load %arg8[%swap3A_834, %swap3A_835] {strides = array<i32>} : memref<100x64xf32, #tpu.memory_space<vmem>>, vector<1x16xf32>,
        %swap3A_837 = vector.shape_cast %swap3A_836 : vector<1x16xf32> to vector<16xf32>
        %swap3A_838 = vector.shape_cast %get3A_833 : vector<16xf32> to vector<1x16xf32>
        tpu.vector_store %arg8[%swap3A_834, %swap3A_835], %swap3A_838 {add = true, strides = array<i32>} : memref<100x64xf32, #tpu.memory_space<vmem>>, vector<1x16xf32>,
        %add3A_839 = arith.addi %mul3A_195, %add3A_810 : i32
        %get3A_840 = arith.index_cast %add3A_839 : i32 to index
        %get3A_841 = arith.constant 48 : index
        %get3A_842 = tpu.vector_load %arg7[%get3A_840, %get3A_841] {strides = array<i32>} : memref<200x64xf32, #tpu.memory_space<vmem>>, vector<1x16xf32>,
        %get3A_843 = vector.shape_cast %get3A_842 : vector<1x16xf32> to vector<16xf32>
        %swap3A_844 = arith.index_cast %add3A_810 : i32 to index
        %swap3A_845 = arith.constant 48 : index
        %swap3A_846 = tpu.vector_load %arg8[%swap3A_844, %swap3A_845] {strides = array<i32>} : memref<100x64xf32, #tpu.memory_space<vmem>>, vector<1x16xf32>,
        %swap3A_847 = vector.shape_cast %swap3A_846 : vector<1x16xf32> to vector<16xf32>
        %swap3A_848 = vector.shape_cast %get3A_843 : vector<16xf32> to vector<1x16xf32>
        tpu.vector_store %arg8[%swap3A_844, %swap3A_845], %swap3A_848 {add = true, strides = array<i32>} : memref<100x64xf32, #tpu.memory_space<vmem>>, vector<1x16xf32>,
        %scan3A_849 = arith.constant 1 : i32
        %scan3A_850 = arith.addi %scan3A_806, %scan3A_849 : i32
        %mul3A_851 = arith.constant 1 : i32
        %mul3A_852 = arith.muli %scan3A_850, %mul3A_851 : i32
        %add3A_853 = arith.constant 0 : i32
        %add3A_854 = arith.addi %add3A_853, %mul3A_852 : i32
        %add3A_855 = arith.addi %mul3A_195, %add3A_854 : i32
        %get3A_856 = arith.index_cast %add3A_855 : i32 to index
        %get3A_857 = arith.constant 0 : index
        %get3A_858 = tpu.vector_load %arg7[%get3A_856, %get3A_857] {strides = array<i32>} : memref<200x64xf32, #tpu.memory_space<vmem>>, vector<1x16xf32>,
        %get3A_859 = vector.shape_cast %get3A_858 : vector<1x16xf32> to vector<16xf32>
        %swap3A_860 = arith.index_cast %add3A_854 : i32 to index
        %swap3A_861 = arith.constant 0 : index
        %swap3A_862 = tpu.vector_load %arg8[%swap3A_860, %swap3A_861] {strides = array<i32>} : memref<100x64xf32, #tpu.memory_space<vmem>>, vector<1x16xf32>,
        %swap3A_863 = vector.shape_cast %swap3A_862 : vector<1x16xf32> to vector<16xf32>
        %swap3A_864 = vector.shape_cast %get3A_859 : vector<16xf32> to vector<1x16xf32>
        tpu.vector_store %arg8[%swap3A_860, %swap3A_861], %swap3A_864 {add = true, strides = array<i32>} : memref<100x64xf32, #tpu.memory_space<vmem>>, vector<1x16xf32>,
        %add3A_865 = arith.addi %mul3A_195, %add3A_854 : i32
        %get3A_866 = arith.index_cast %add3A_865 : i32 to index
        %get3A_867 = arith.constant 16 : index
        %get3A_868 = tpu.vector_load %arg7[%get3A_866, %get3A_867] {strides = array<i32>} : memref<200x64xf32, #tpu.memory_space<vmem>>, vector<1x16xf32>,
        %get3A_869 = vector.shape_cast %get3A_868 : vector<1x16xf32> to vector<16xf32>
        %swap3A_870 = arith.index_cast %add3A_854 : i32 to index
        %swap3A_871 = arith.constant 16 : index
        %swap3A_872 = tpu.vector_load %arg8[%swap3A_870, %swap3A_871] {strides = array<i32>} : memref<100x64xf32, #tpu.memory_space<vmem>>, vector<1x16xf32>,
        %swap3A_873 = vector.shape_cast %swap3A_872 : vector<1x16xf32> to vector<16xf32>
        %swap3A_874 = vector.shape_cast %get3A_869 : vector<16xf32> to vector<1x16xf32>
        tpu.vector_store %arg8[%swap3A_870, %swap3A_871], %swap3A_874 {add = true, strides = array<i32>} : memref<100x64xf32, #tpu.memory_space<vmem>>, vector<1x16xf32>,
        %add3A_875 = arith.addi %mul3A_195, %add3A_854 : i32
        %get3A_876 = arith.index_cast %add3A_875 : i32 to index
        %get3A_877 = arith.constant 32 : index
        %get3A_878 = tpu.vector_load %arg7[%get3A_876, %get3A_877] {strides = array<i32>} : memref<200x64xf32, #tpu.memory_space<vmem>>, vector<1x16xf32>,
        %get3A_879 = vector.shape_cast %get3A_878 : vector<1x16xf32> to vector<16xf32>
        %swap3A_880 = arith.index_cast %add3A_854 : i32 to index
        %swap3A_881 = arith.constant 32 : index
        %swap3A_882 = tpu.vector_load %arg8[%swap3A_880, %swap3A_881] {strides = array<i32>} : memref<100x64xf32, #tpu.memory_space<vmem>>, vector<1x16xf32>,
        %swap3A_883 = vector.shape_cast %swap3A_882 : vector<1x16xf32> to vector<16xf32>
        %swap3A_884 = vector.shape_cast %get3A_879 : vector<16xf32> to vector<1x16xf32>
        tpu.vector_store %arg8[%swap3A_880, %swap3A_881], %swap3A_884 {add = true, strides = array<i32>} : memref<100x64xf32, #tpu.memory_space<vmem>>, vector<1x16xf32>,
        %add3A_885 = arith.addi %mul3A_195, %add3A_854 : i32
        %get3A_886 = arith.index_cast %add3A_885 : i32 to index
        %get3A_887 = arith.constant 48 : index
        %get3A_888 = tpu.vector_load %arg7[%get3A_886, %get3A_887] {strides = array<i32>} : memref<200x64xf32, #tpu.memory_space<vmem>>, vector<1x16xf32>,
        %get3A_889 = vector.shape_cast %get3A_888 : vector<1x16xf32> to vector<16xf32>
        %swap3A_890 = arith.index_cast %add3A_854 : i32 to index
        %swap3A_891 = arith.constant 48 : index
        %swap3A_892 = tpu.vector_load %arg8[%swap3A_890, %swap3A_891] {strides = array<i32>} : memref<100x64xf32, #tpu.memory_space<vmem>>, vector<1x16xf32>,
        %swap3A_893 = vector.shape_cast %swap3A_892 : vector<1x16xf32> to vector<16xf32>
        %swap3A_894 = vector.shape_cast %get3A_889 : vector<16xf32> to vector<1x16xf32>
        tpu.vector_store %arg8[%swap3A_890, %swap3A_891], %swap3A_894 {add = true, strides = array<i32>} : memref<100x64xf32, #tpu.memory_space<vmem>>, vector<1x16xf32>,
      }
      %scan3A_200 = arith.constant 100 : i32
      %add3A_201 = arith.addi %mul3A_2, %add3A_175 : i32
      %jit3A_202 = arith.constant 2 : i32
      %div3A_203 = arith.divsi %add3A_201, %jit3A_202 : i32
      %sign3A_204 = arith.constant 0 : i32
      %sign3A_205 = arith.cmpi sgt, %add3A_201, %sign3A_204 : i32
      %sign3A_206 = arith.extui %sign3A_205 : i1 to i32
      %sign3A_207 = arith.constant 0 : i32
      %sign3A_208 = arith.cmpi slt, %add3A_201, %sign3A_207 : i32
      %sign3A_209 = arith.extui %sign3A_208 : i1 to i32
      %sign3A_210 = arith.subi %sign3A_206, %sign3A_209 : i32
      %sign3A_211 = arith.constant 0 : i32
      %sign3A_212 = arith.cmpi sgt, %jit3A_202, %sign3A_211 : i32
      %sign3A_213 = arith.extui %sign3A_212 : i1 to i32
      %sign3A_214 = arith.constant 0 : i32
      %sign3A_215 = arith.cmpi slt, %jit3A_202, %sign3A_214 : i32
      %sign3A_216 = arith.extui %sign3A_215 : i1 to i32
      %sign3A_217 = arith.subi %sign3A_213, %sign3A_216 : i32
      %ne3A_218 = arith.cmpi ne, %sign3A_210, %sign3A_217 : i32
      %rem3A_219 = arith.remsi %add3A_201, %jit3A_202 : i32
      %ne3A_220 = arith.constant 0 : i32
      %ne3A_221 = arith.cmpi ne, %rem3A_219, %ne3A_220 : i32
      %and3A_222 = arith.andi %ne3A_218, %ne3A_221 : i1
      %sub3A_223 = arith.constant 1 : i32
      %sub3A_224 = arith.subi %div3A_203, %sub3A_223 : i32
      %select_n3A_225 = arith.select %and3A_222, %sub3A_224, %div3A_203 : i32
      %rem3A_226 = arith.constant 2 : i32
      %rem3A_227 = arith.remsi %add3A_201, %rem3A_226 : i32
      %mul3A_228 = arith.constant 100 : i32
      %mul3A_229 = arith.muli %rem3A_227, %mul3A_228 : i32
      %dma_start3A_230 = arith.constant 0 : i32
      %dma_start3A_231 = tpu.memref_slice %arg5[%select_n3A_225, %mul3A_229, %dma_start3A_230] : memref<4096x200x64xf32, #tpu.memory_space<hbm>> -> memref<1x100x64xf32, #tpu.memory_space<hbm>>
      %dma_start3A_232 = tpu.memref_squeeze %dma_start3A_231 : memref<1x100x64xf32, #tpu.memory_space<hbm>> -> memref<100x64xf32, #tpu.memory_space<hbm>>
      %dma_start3A_233 = arith.constant 0 : i32
      %dma_start3A_234 = tpu.memref_slice %arg5[%select_n3A_225, %mul3A_229, %dma_start3A_233] : memref<4096x200x64xf32, #tpu.memory_space<hbm>> -> memref<1x100x64xf32, #tpu.memory_space<hbm>>
      %dma_start3A_235 = tpu.memref_squeeze %dma_start3A_234 : memref<1x100x64xf32, #tpu.memory_space<hbm>> -> memref<100x64xf32, #tpu.memory_space<hbm>>
      tpu.enqueue_dma source(%arg8 : memref<100x64xf32, #tpu.memory_space<vmem>>) target(%dma_start3A_235 : memref<100x64xf32, #tpu.memory_space<hbm>>) target_semaphore(%arg24 : memref<!tpu.dma_semaphore, #tpu.memory_space<semaphore_mem>>)
      %add3A_236 = arith.constant 1 : i32
      %add3A_237 = arith.addi %add3A_173, %add3A_236 : i32
      %gt3A_238 = arith.constant 0 : i32
      %gt3A_239 = arith.cmpi sgt, %add3A_173, %gt3A_238 : i32
      %convert_element_type3A_240 = arith.extui %gt3A_239 : i1 to i32
      %cond3A_241 = arith.constant 0 : i32
      %cond3A_242 = arith.cmpi ne, %convert_element_type3A_240, %cond3A_241 : i32
      scf.if %cond3A_242 {
        %sub3A_806 = arith.constant 4 : i32
        %sub3A_807 = arith.subi %add3A_237, %sub3A_806 : i32
        %add3A_808 = arith.addi %mul3A_2, %sub3A_807 : i32
        %jit3A_809 = arith.constant 2 : i32
        %div3A_810 = arith.divsi %add3A_808, %jit3A_809 : i32
        %sign3A_811 = arith.constant 0 : i32
        %sign3A_812 = arith.cmpi sgt, %add3A_808, %sign3A_811 : i32
        %sign3A_813 = arith.extui %sign3A_812 : i1 to i32
        %sign3A_814 = arith.constant 0 : i32
        %sign3A_815 = arith.cmpi slt, %add3A_808, %sign3A_814 : i32
        %sign3A_816 = arith.extui %sign3A_815 : i1 to i32
        %sign3A_817 = arith.subi %sign3A_813, %sign3A_816 : i32
        %sign3A_818 = arith.constant 0 : i32
        %sign3A_819 = arith.cmpi sgt, %jit3A_809, %sign3A_818 : i32
        %sign3A_820 = arith.extui %sign3A_819 : i1 to i32
        %sign3A_821 = arith.constant 0 : i32
        %sign3A_822 = arith.cmpi slt, %jit3A_809, %sign3A_821 : i32
        %sign3A_823 = arith.extui %sign3A_822 : i1 to i32
        %sign3A_824 = arith.subi %sign3A_820, %sign3A_823 : i32
        %ne3A_825 = arith.cmpi ne, %sign3A_817, %sign3A_824 : i32
        %rem3A_826 = arith.remsi %add3A_808, %jit3A_809 : i32
        %ne3A_827 = arith.constant 0 : i32
        %ne3A_828 = arith.cmpi ne, %rem3A_826, %ne3A_827 : i32
        %and3A_829 = arith.andi %ne3A_825, %ne3A_828 : i1
        %sub3A_830 = arith.constant 1 : i32
        %sub3A_831 = arith.subi %div3A_810, %sub3A_830 : i32
        %select_n3A_832 = arith.select %and3A_829, %sub3A_831, %div3A_810 : i32
        %rem3A_833 = arith.constant 2 : i32
        %rem3A_834 = arith.remsi %add3A_808, %rem3A_833 : i32
        %mul3A_835 = arith.constant 100 : i32
        %mul3A_836 = arith.muli %rem3A_834, %mul3A_835 : i32
        %dma_wait3A_837 = arith.constant 0 : i32
        %dma_wait3A_838 = tpu.memref_slice %arg5[%select_n3A_832, %mul3A_836, %dma_wait3A_837] : memref<4096x200x64xf32, #tpu.memory_space<hbm>> -> memref<1x100x64xf32, #tpu.memory_space<hbm>>
        %dma_wait3A_839 = tpu.memref_squeeze %dma_wait3A_838 : memref<1x100x64xf32, #tpu.memory_space<hbm>> -> memref<100x64xf32, #tpu.memory_space<hbm>>
        %dma_wait3A_840 = arith.constant 0 : i32
        %dma_wait3A_841 = tpu.memref_slice %arg5[%select_n3A_832, %mul3A_836, %dma_wait3A_840] : memref<4096x200x64xf32, #tpu.memory_space<hbm>> -> memref<1x100x64xf32, #tpu.memory_space<hbm>>
        %dma_wait3A_842 = tpu.memref_squeeze %dma_wait3A_841 : memref<1x100x64xf32, #tpu.memory_space<hbm>> -> memref<100x64xf32, #tpu.memory_space<hbm>>
        tpu.wait_dma2 semaphore(%arg29 : memref<!tpu.dma_semaphore, #tpu.memory_space<semaphore_mem>>) src(%arg13 : memref<100x64xf32, #tpu.memory_space<vmem>>) dst(%dma_wait3A_842 : memref<100x64xf32, #tpu.memory_space<hbm>>)
      } else {
      }
      %add3A_243 = arith.constant 4 : i32
      %add3A_244 = arith.addi %add3A_237, %add3A_243 : i32
      %dma_start3A_245 = arith.constant 0 : i32
      %dma_start3A_246 = tpu.memref_slice %arg6[%add3A_244, %dma_start3A_245] : memref<256x100xi32, #tpu.memory_space<vmem>> -> memref<1x100xi32, #tpu.memory_space<vmem>>
      %dma_start3A_247 = tpu.memref_squeeze %dma_start3A_246 : memref<1x100xi32, #tpu.memory_space<vmem>> -> memref<100xi32, #tpu.memory_space<vmem>>
      %dma_start3A_248 = arith.constant 0 : i32
      %dma_start3A_249 = arith.constant 0 : i32
      %dma_start3A_250 = tpu.memref_slice %arg3[%dma_start3A_248, %dma_start3A_249] : memref<100000x64xf32, #tpu.memory_space<hbm>> -> memref<100000x64xf32, #tpu.memory_space<hbm>>
      tpu.enqueue_indirect_dma source(%dma_start3A_250 : memref<100000x64xf32, #tpu.memory_space<hbm>>) target(%arg13 : memref<100x64xf32, #tpu.memory_space<vmem>>) offsets(%dma_start3A_247 : memref<100xi32, #tpu.memory_space<vmem>>) semaphore(%arg21 : memref<!tpu.dma_semaphore, #tpu.memory_space<semaphore_mem>>)
      %dma_wait3A_251 = arith.constant 0 : i32
      %dma_wait3A_252 = tpu.memref_slice %arg6[%add3A_237, %dma_wait3A_251] : memref<256x100xi32, #tpu.memory_space<vmem>> -> memref<1x100xi32, #tpu.memory_space<vmem>>
      %dma_wait3A_253 = tpu.memref_squeeze %dma_wait3A_252 : memref<1x100xi32, #tpu.memory_space<vmem>> -> memref<100xi32, #tpu.memory_space<vmem>>
      %dma_wait3A_254 = arith.constant 0 : i32
      %dma_wait3A_255 = arith.constant 0 : i32
      %dma_wait3A_256 = tpu.memref_slice %arg3[%dma_wait3A_254, %dma_wait3A_255] : memref<100000x64xf32, #tpu.memory_space<hbm>> -> memref<100000x64xf32, #tpu.memory_space<hbm>>
      tpu.wait_indirect_dma semaphore(%arg17 : memref<!tpu.dma_semaphore, #tpu.memory_space<semaphore_mem>>) src(%dma_wait3A_256 : memref<100000x64xf32, #tpu.memory_space<hbm>>) dst(%arg9 : memref<100x64xf32, #tpu.memory_space<vmem>>)
      %rem3A_257 = arith.constant 2 : i32
      %rem3A_258 = arith.remsi %add3A_237, %rem3A_257 : i32
      %mul3A_259 = arith.constant 100 : i32
      %mul3A_260 = arith.muli %rem3A_258, %mul3A_259 : i32
      %scan3A_261 = arith.constant 0 : i32
      %scan3A_262 = arith.constant 100 : i32
      %scan3A_263 = arith.addi %scan3A_261, %scan3A_262 : i32
      %scan3A_264 = arith.constant 2 : i32
      scf.for %scan3A_806 = %scan3A_261 to %scan3A_263 step %scan3A_264  : i32 {
        %mul3A_807 = arith.constant 1 : i32
        %mul3A_808 = arith.muli %scan3A_806, %mul3A_807 : i32
        %add3A_809 = arith.constant 0 : i32
        %add3A_810 = arith.addi %add3A_809, %mul3A_808 : i32
        %add3A_811 = arith.addi %mul3A_260, %add3A_810 : i32
        %get3A = arith.index_cast %add3A_811 : i32 to index
        %get3A_812 = arith.constant 0 : index
        %get3A_813 = tpu.vector_load %arg7[%get3A, %get3A_812] {strides = array<i32>} : memref<200x64xf32, #tpu.memory_space<vmem>>, vector<1x16xf32>,
        %get3A_814 = vector.shape_cast %get3A_813 : vector<1x16xf32> to vector<16xf32>
        %swap3A = arith.index_cast %add3A_810 : i32 to index
        %swap3A_815 = arith.constant 0 : index
        %swap3A_816 = tpu.vector_load %arg9[%swap3A, %swap3A_815] {strides = array<i32>} : memref<100x64xf32, #tpu.memory_space<vmem>>, vector<1x16xf32>,
        %swap3A_817 = vector.shape_cast %swap3A_816 : vector<1x16xf32> to vector<16xf32>
        %swap3A_818 = vector.shape_cast %get3A_814 : vector<16xf32> to vector<1x16xf32>
        tpu.vector_store %arg9[%swap3A, %swap3A_815], %swap3A_818 {add = true, strides = array<i32>} : memref<100x64xf32, #tpu.memory_space<vmem>>, vector<1x16xf32>,
        %add3A_819 = arith.addi %mul3A_260, %add3A_810 : i32
        %get3A_820 = arith.index_cast %add3A_819 : i32 to index
        %get3A_821 = arith.constant 16 : index
        %get3A_822 = tpu.vector_load %arg7[%get3A_820, %get3A_821] {strides = array<i32>} : memref<200x64xf32, #tpu.memory_space<vmem>>, vector<1x16xf32>,
        %get3A_823 = vector.shape_cast %get3A_822 : vector<1x16xf32> to vector<16xf32>
        %swap3A_824 = arith.index_cast %add3A_810 : i32 to index
        %swap3A_825 = arith.constant 16 : index
        %swap3A_826 = tpu.vector_load %arg9[%swap3A_824, %swap3A_825] {strides = array<i32>} : memref<100x64xf32, #tpu.memory_space<vmem>>, vector<1x16xf32>,
        %swap3A_827 = vector.shape_cast %swap3A_826 : vector<1x16xf32> to vector<16xf32>
        %swap3A_828 = vector.shape_cast %get3A_823 : vector<16xf32> to vector<1x16xf32>
        tpu.vector_store %arg9[%swap3A_824, %swap3A_825], %swap3A_828 {add = true, strides = array<i32>} : memref<100x64xf32, #tpu.memory_space<vmem>>, vector<1x16xf32>,
        %add3A_829 = arith.addi %mul3A_260, %add3A_810 : i32
        %get3A_830 = arith.index_cast %add3A_829 : i32 to index
        %get3A_831 = arith.constant 32 : index
        %get3A_832 = tpu.vector_load %arg7[%get3A_830, %get3A_831] {strides = array<i32>} : memref<200x64xf32, #tpu.memory_space<vmem>>, vector<1x16xf32>,
        %get3A_833 = vector.shape_cast %get3A_832 : vector<1x16xf32> to vector<16xf32>
        %swap3A_834 = arith.index_cast %add3A_810 : i32 to index
        %swap3A_835 = arith.constant 32 : index
        %swap3A_836 = tpu.vector_load %arg9[%swap3A_834, %swap3A_835] {strides = array<i32>} : memref<100x64xf32, #tpu.memory_space<vmem>>, vector<1x16xf32>,
        %swap3A_837 = vector.shape_cast %swap3A_836 : vector<1x16xf32> to vector<16xf32>
        %swap3A_838 = vector.shape_cast %get3A_833 : vector<16xf32> to vector<1x16xf32>
        tpu.vector_store %arg9[%swap3A_834, %swap3A_835], %swap3A_838 {add = true, strides = array<i32>} : memref<100x64xf32, #tpu.memory_space<vmem>>, vector<1x16xf32>,
        %add3A_839 = arith.addi %mul3A_260, %add3A_810 : i32
        %get3A_840 = arith.index_cast %add3A_839 : i32 to index
        %get3A_841 = arith.constant 48 : index
        %get3A_842 = tpu.vector_load %arg7[%get3A_840, %get3A_841] {strides = array<i32>} : memref<200x64xf32, #tpu.memory_space<vmem>>, vector<1x16xf32>,
        %get3A_843 = vector.shape_cast %get3A_842 : vector<1x16xf32> to vector<16xf32>
        %swap3A_844 = arith.index_cast %add3A_810 : i32 to index
        %swap3A_845 = arith.constant 48 : index
        %swap3A_846 = tpu.vector_load %arg9[%swap3A_844, %swap3A_845] {strides = array<i32>} : memref<100x64xf32, #tpu.memory_space<vmem>>, vector<1x16xf32>,
        %swap3A_847 = vector.shape_cast %swap3A_846 : vector<1x16xf32> to vector<16xf32>
        %swap3A_848 = vector.shape_cast %get3A_843 : vector<16xf32> to vector<1x16xf32>
        tpu.vector_store %arg9[%swap3A_844, %swap3A_845], %swap3A_848 {add = true, strides = array<i32>} : memref<100x64xf32, #tpu.memory_space<vmem>>, vector<1x16xf32>,
        %scan3A_849 = arith.constant 1 : i32
        %scan3A_850 = arith.addi %scan3A_806, %scan3A_849 : i32
        %mul3A_851 = arith.constant 1 : i32
        %mul3A_852 = arith.muli %scan3A_850, %mul3A_851 : i32
        %add3A_853 = arith.constant 0 : i32
        %add3A_854 = arith.addi %add3A_853, %mul3A_852 : i32
        %add3A_855 = arith.addi %mul3A_260, %add3A_854 : i32
        %get3A_856 = arith.index_cast %add3A_855 : i32 to index
        %get3A_857 = arith.constant 0 : index
        %get3A_858 = tpu.vector_load %arg7[%get3A_856, %get3A_857] {strides = array<i32>} : memref<200x64xf32, #tpu.memory_space<vmem>>, vector<1x16xf32>,
        %get3A_859 = vector.shape_cast %get3A_858 : vector<1x16xf32> to vector<16xf32>
        %swap3A_860 = arith.index_cast %add3A_854 : i32 to index
        %swap3A_861 = arith.constant 0 : index
        %swap3A_862 = tpu.vector_load %arg9[%swap3A_860, %swap3A_861] {strides = array<i32>} : memref<100x64xf32, #tpu.memory_space<vmem>>, vector<1x16xf32>,
        %swap3A_863 = vector.shape_cast %swap3A_862 : vector<1x16xf32> to vector<16xf32>
        %swap3A_864 = vector.shape_cast %get3A_859 : vector<16xf32> to vector<1x16xf32>
        tpu.vector_store %arg9[%swap3A_860, %swap3A_861], %swap3A_864 {add = true, strides = array<i32>} : memref<100x64xf32, #tpu.memory_space<vmem>>, vector<1x16xf32>,
        %add3A_865 = arith.addi %mul3A_260, %add3A_854 : i32
        %get3A_866 = arith.index_cast %add3A_865 : i32 to index
        %get3A_867 = arith.constant 16 : index
        %get3A_868 = tpu.vector_load %arg7[%get3A_866, %get3A_867] {strides = array<i32>} : memref<200x64xf32, #tpu.memory_space<vmem>>, vector<1x16xf32>,
        %get3A_869 = vector.shape_cast %get3A_868 : vector<1x16xf32> to vector<16xf32>
        %swap3A_870 = arith.index_cast %add3A_854 : i32 to index
        %swap3A_871 = arith.constant 16 : index
        %swap3A_872 = tpu.vector_load %arg9[%swap3A_870, %swap3A_871] {strides = array<i32>} : memref<100x64xf32, #tpu.memory_space<vmem>>, vector<1x16xf32>,
        %swap3A_873 = vector.shape_cast %swap3A_872 : vector<1x16xf32> to vector<16xf32>
        %swap3A_874 = vector.shape_cast %get3A_869 : vector<16xf32> to vector<1x16xf32>
        tpu.vector_store %arg9[%swap3A_870, %swap3A_871], %swap3A_874 {add = true, strides = array<i32>} : memref<100x64xf32, #tpu.memory_space<vmem>>, vector<1x16xf32>,
        %add3A_875 = arith.addi %mul3A_260, %add3A_854 : i32
        %get3A_876 = arith.index_cast %add3A_875 : i32 to index
        %get3A_877 = arith.constant 32 : index
        %get3A_878 = tpu.vector_load %arg7[%get3A_876, %get3A_877] {strides = array<i32>} : memref<200x64xf32, #tpu.memory_space<vmem>>, vector<1x16xf32>,
        %get3A_879 = vector.shape_cast %get3A_878 : vector<1x16xf32> to vector<16xf32>
        %swap3A_880 = arith.index_cast %add3A_854 : i32 to index
        %swap3A_881 = arith.constant 32 : index
        %swap3A_882 = tpu.vector_load %arg9[%swap3A_880, %swap3A_881] {strides = array<i32>} : memref<100x64xf32, #tpu.memory_space<vmem>>, vector<1x16xf32>,
        %swap3A_883 = vector.shape_cast %swap3A_882 : vector<1x16xf32> to vector<16xf32>
        %swap3A_884 = vector.shape_cast %get3A_879 : vector<16xf32> to vector<1x16xf32>
        tpu.vector_store %arg9[%swap3A_880, %swap3A_881], %swap3A_884 {add = true, strides = array<i32>} : memref<100x64xf32, #tpu.memory_space<vmem>>, vector<1x16xf32>,
        %add3A_885 = arith.addi %mul3A_260, %add3A_854 : i32
        %get3A_886 = arith.index_cast %add3A_885 : i32 to index
        %get3A_887 = arith.constant 48 : index
        %get3A_888 = tpu.vector_load %arg7[%get3A_886, %get3A_887] {strides = array<i32>} : memref<200x64xf32, #tpu.memory_space<vmem>>, vector<1x16xf32>,
        %get3A_889 = vector.shape_cast %get3A_888 : vector<1x16xf32> to vector<16xf32>
        %swap3A_890 = arith.index_cast %add3A_854 : i32 to index
        %swap3A_891 = arith.constant 48 : index
        %swap3A_892 = tpu.vector_load %arg9[%swap3A_890, %swap3A_891] {strides = array<i32>} : memref<100x64xf32, #tpu.memory_space<vmem>>, vector<1x16xf32>,
        %swap3A_893 = vector.shape_cast %swap3A_892 : vector<1x16xf32> to vector<16xf32>
        %swap3A_894 = vector.shape_cast %get3A_889 : vector<16xf32> to vector<1x16xf32>
        tpu.vector_store %arg9[%swap3A_890, %swap3A_891], %swap3A_894 {add = true, strides = array<i32>} : memref<100x64xf32, #tpu.memory_space<vmem>>, vector<1x16xf32>,
      }
      %scan3A_265 = arith.constant 100 : i32
      %add3A_266 = arith.addi %mul3A_2, %add3A_237 : i32
      %jit3A_267 = arith.constant 2 : i32
      %div3A_268 = arith.divsi %add3A_266, %jit3A_267 : i32
      %sign3A_269 = arith.constant 0 : i32
      %sign3A_270 = arith.cmpi sgt, %add3A_266, %sign3A_269 : i32
      %sign3A_271 = arith.extui %sign3A_270 : i1 to i32
      %sign3A_272 = arith.constant 0 : i32
      %sign3A_273 = arith.cmpi slt, %add3A_266, %sign3A_272 : i32
      %sign3A_274 = arith.extui %sign3A_273 : i1 to i32
      %sign3A_275 = arith.subi %sign3A_271, %sign3A_274 : i32
      %sign3A_276 = arith.constant 0 : i32
      %sign3A_277 = arith.cmpi sgt, %jit3A_267, %sign3A_276 : i32
      %sign3A_278 = arith.extui %sign3A_277 : i1 to i32
      %sign3A_279 = arith.constant 0 : i32
      %sign3A_280 = arith.cmpi slt, %jit3A_267, %sign3A_279 : i32
      %sign3A_281 = arith.extui %sign3A_280 : i1 to i32
      %sign3A_282 = arith.subi %sign3A_278, %sign3A_281 : i32
      %ne3A_283 = arith.cmpi ne, %sign3A_275, %sign3A_282 : i32
      %rem3A_284 = arith.remsi %add3A_266, %jit3A_267 : i32
      %ne3A_285 = arith.constant 0 : i32
      %ne3A_286 = arith.cmpi ne, %rem3A_284, %ne3A_285 : i32
      %and3A_287 = arith.andi %ne3A_283, %ne3A_286 : i1
      %sub3A_288 = arith.constant 1 : i32
      %sub3A_289 = arith.subi %div3A_268, %sub3A_288 : i32
      %select_n3A_290 = arith.select %and3A_287, %sub3A_289, %div3A_268 : i32
      %rem3A_291 = arith.constant 2 : i32
      %rem3A_292 = arith.remsi %add3A_266, %rem3A_291 : i32
      %mul3A_293 = arith.constant 100 : i32
      %mul3A_294 = arith.muli %rem3A_292, %mul3A_293 : i32
      %dma_start3A_295 = arith.constant 0 : i32
      %dma_start3A_296 = tpu.memref_slice %arg5[%select_n3A_290, %mul3A_294, %dma_start3A_295] : memref<4096x200x64xf32, #tpu.memory_space<hbm>> -> memref<1x100x64xf32, #tpu.memory_space<hbm>>
      %dma_start3A_297 = tpu.memref_squeeze %dma_start3A_296 : memref<1x100x64xf32, #tpu.memory_space<hbm>> -> memref<100x64xf32, #tpu.memory_space<hbm>>
      %dma_start3A_298 = arith.constant 0 : i32
      %dma_start3A_299 = tpu.memref_slice %arg5[%select_n3A_290, %mul3A_294, %dma_start3A_298] : memref<4096x200x64xf32, #tpu.memory_space<hbm>> -> memref<1x100x64xf32, #tpu.memory_space<hbm>>
      %dma_start3A_300 = tpu.memref_squeeze %dma_start3A_299 : memref<1x100x64xf32, #tpu.memory_space<hbm>> -> memref<100x64xf32, #tpu.memory_space<hbm>>
      tpu.enqueue_dma source(%arg9 : memref<100x64xf32, #tpu.memory_space<vmem>>) target(%dma_start3A_300 : memref<100x64xf32, #tpu.memory_space<hbm>>) target_semaphore(%arg25 : memref<!tpu.dma_semaphore, #tpu.memory_space<semaphore_mem>>)
      %add3A_301 = arith.constant 2 : i32
      %add3A_302 = arith.addi %add3A_173, %add3A_301 : i32
      %gt3A_303 = arith.constant 0 : i32
      %gt3A_304 = arith.cmpi sgt, %add3A_173, %gt3A_303 : i32
      %convert_element_type3A_305 = arith.extui %gt3A_304 : i1 to i32
      %cond3A_306 = arith.constant 0 : i32
      %cond3A_307 = arith.cmpi ne, %convert_element_type3A_305, %cond3A_306 : i32
      scf.if %cond3A_307 {
        %sub3A_806 = arith.constant 4 : i32
        %sub3A_807 = arith.subi %add3A_302, %sub3A_806 : i32
        %add3A_808 = arith.addi %mul3A_2, %sub3A_807 : i32
        %jit3A_809 = arith.constant 2 : i32
        %div3A_810 = arith.divsi %add3A_808, %jit3A_809 : i32
        %sign3A_811 = arith.constant 0 : i32
        %sign3A_812 = arith.cmpi sgt, %add3A_808, %sign3A_811 : i32
        %sign3A_813 = arith.extui %sign3A_812 : i1 to i32
        %sign3A_814 = arith.constant 0 : i32
        %sign3A_815 = arith.cmpi slt, %add3A_808, %sign3A_814 : i32
        %sign3A_816 = arith.extui %sign3A_815 : i1 to i32
        %sign3A_817 = arith.subi %sign3A_813, %sign3A_816 : i32
        %sign3A_818 = arith.constant 0 : i32
        %sign3A_819 = arith.cmpi sgt, %jit3A_809, %sign3A_818 : i32
        %sign3A_820 = arith.extui %sign3A_819 : i1 to i32
        %sign3A_821 = arith.constant 0 : i32
        %sign3A_822 = arith.cmpi slt, %jit3A_809, %sign3A_821 : i32
        %sign3A_823 = arith.extui %sign3A_822 : i1 to i32
        %sign3A_824 = arith.subi %sign3A_820, %sign3A_823 : i32
        %ne3A_825 = arith.cmpi ne, %sign3A_817, %sign3A_824 : i32
        %rem3A_826 = arith.remsi %add3A_808, %jit3A_809 : i32
        %ne3A_827 = arith.constant 0 : i32
        %ne3A_828 = arith.cmpi ne, %rem3A_826, %ne3A_827 : i32
        %and3A_829 = arith.andi %ne3A_825, %ne3A_828 : i1
        %sub3A_830 = arith.constant 1 : i32
        %sub3A_831 = arith.subi %div3A_810, %sub3A_830 : i32
        %select_n3A_832 = arith.select %and3A_829, %sub3A_831, %div3A_810 : i32
        %rem3A_833 = arith.constant 2 : i32
        %rem3A_834 = arith.remsi %add3A_808, %rem3A_833 : i32
        %mul3A_835 = arith.constant 100 : i32
        %mul3A_836 = arith.muli %rem3A_834, %mul3A_835 : i32
        %dma_wait3A_837 = arith.constant 0 : i32
        %dma_wait3A_838 = tpu.memref_slice %arg5[%select_n3A_832, %mul3A_836, %dma_wait3A_837] : memref<4096x200x64xf32, #tpu.memory_space<hbm>> -> memref<1x100x64xf32, #tpu.memory_space<hbm>>
        %dma_wait3A_839 = tpu.memref_squeeze %dma_wait3A_838 : memref<1x100x64xf32, #tpu.memory_space<hbm>> -> memref<100x64xf32, #tpu.memory_space<hbm>>
        %dma_wait3A_840 = arith.constant 0 : i32
        %dma_wait3A_841 = tpu.memref_slice %arg5[%select_n3A_832, %mul3A_836, %dma_wait3A_840] : memref<4096x200x64xf32, #tpu.memory_space<hbm>> -> memref<1x100x64xf32, #tpu.memory_space<hbm>>
        %dma_wait3A_842 = tpu.memref_squeeze %dma_wait3A_841 : memref<1x100x64xf32, #tpu.memory_space<hbm>> -> memref<100x64xf32, #tpu.memory_space<hbm>>
        tpu.wait_dma2 semaphore(%arg30 : memref<!tpu.dma_semaphore, #tpu.memory_space<semaphore_mem>>) src(%arg14 : memref<100x64xf32, #tpu.memory_space<vmem>>) dst(%dma_wait3A_842 : memref<100x64xf32, #tpu.memory_space<hbm>>)
      } else {
      }
      %add3A_308 = arith.constant 4 : i32
      %add3A_309 = arith.addi %add3A_302, %add3A_308 : i32
      %dma_start3A_310 = arith.constant 0 : i32
      %dma_start3A_311 = tpu.memref_slice %arg6[%add3A_309, %dma_start3A_310] : memref<256x100xi32, #tpu.memory_space<vmem>> -> memref<1x100xi32, #tpu.memory_space<vmem>>
      %dma_start3A_312 = tpu.memref_squeeze %dma_start3A_311 : memref<1x100xi32, #tpu.memory_space<vmem>> -> memref<100xi32, #tpu.memory_space<vmem>>
      %dma_start3A_313 = arith.constant 0 : i32
      %dma_start3A_314 = arith.constant 0 : i32
      %dma_start3A_315 = tpu.memref_slice %arg3[%dma_start3A_313, %dma_start3A_314] : memref<100000x64xf32, #tpu.memory_space<hbm>> -> memref<100000x64xf32, #tpu.memory_space<hbm>>
      tpu.enqueue_indirect_dma source(%dma_start3A_315 : memref<100000x64xf32, #tpu.memory_space<hbm>>) target(%arg14 : memref<100x64xf32, #tpu.memory_space<vmem>>) offsets(%dma_start3A_312 : memref<100xi32, #tpu.memory_space<vmem>>) semaphore(%arg22 : memref<!tpu.dma_semaphore, #tpu.memory_space<semaphore_mem>>)
      %dma_wait3A_316 = arith.constant 0 : i32
      %dma_wait3A_317 = tpu.memref_slice %arg6[%add3A_302, %dma_wait3A_316] : memref<256x100xi32, #tpu.memory_space<vmem>> -> memref<1x100xi32, #tpu.memory_space<vmem>>
      %dma_wait3A_318 = tpu.memref_squeeze %dma_wait3A_317 : memref<1x100xi32, #tpu.memory_space<vmem>> -> memref<100xi32, #tpu.memory_space<vmem>>
      %dma_wait3A_319 = arith.constant 0 : i32
      %dma_wait3A_320 = arith.constant 0 : i32
      %dma_wait3A_321 = tpu.memref_slice %arg3[%dma_wait3A_319, %dma_wait3A_320] : memref<100000x64xf32, #tpu.memory_space<hbm>> -> memref<100000x64xf32, #tpu.memory_space<hbm>>
      tpu.wait_indirect_dma semaphore(%arg18 : memref<!tpu.dma_semaphore, #tpu.memory_space<semaphore_mem>>) src(%dma_wait3A_321 : memref<100000x64xf32, #tpu.memory_space<hbm>>) dst(%arg10 : memref<100x64xf32, #tpu.memory_space<vmem>>)
      %rem3A_322 = arith.constant 2 : i32
      %rem3A_323 = arith.remsi %add3A_302, %rem3A_322 : i32
      %mul3A_324 = arith.constant 100 : i32
      %mul3A_325 = arith.muli %rem3A_323, %mul3A_324 : i32
      %scan3A_326 = arith.constant 0 : i32
      %scan3A_327 = arith.constant 100 : i32
      %scan3A_328 = arith.addi %scan3A_326, %scan3A_327 : i32
      %scan3A_329 = arith.constant 2 : i32
      scf.for %scan3A_806 = %scan3A_326 to %scan3A_328 step %scan3A_329  : i32 {
        %mul3A_807 = arith.constant 1 : i32
        %mul3A_808 = arith.muli %scan3A_806, %mul3A_807 : i32
        %add3A_809 = arith.constant 0 : i32
        %add3A_810 = arith.addi %add3A_809, %mul3A_808 : i32
        %add3A_811 = arith.addi %mul3A_325, %add3A_810 : i32
        %get3A = arith.index_cast %add3A_811 : i32 to index
        %get3A_812 = arith.constant 0 : index
        %get3A_813 = tpu.vector_load %arg7[%get3A, %get3A_812] {strides = array<i32>} : memref<200x64xf32, #tpu.memory_space<vmem>>, vector<1x16xf32>,
        %get3A_814 = vector.shape_cast %get3A_813 : vector<1x16xf32> to vector<16xf32>
        %swap3A = arith.index_cast %add3A_810 : i32 to index
        %swap3A_815 = arith.constant 0 : index
        %swap3A_816 = tpu.vector_load %arg10[%swap3A, %swap3A_815] {strides = array<i32>} : memref<100x64xf32, #tpu.memory_space<vmem>>, vector<1x16xf32>,
        %swap3A_817 = vector.shape_cast %swap3A_816 : vector<1x16xf32> to vector<16xf32>
        %swap3A_818 = vector.shape_cast %get3A_814 : vector<16xf32> to vector<1x16xf32>
        tpu.vector_store %arg10[%swap3A, %swap3A_815], %swap3A_818 {add = true, strides = array<i32>} : memref<100x64xf32, #tpu.memory_space<vmem>>, vector<1x16xf32>,
        %add3A_819 = arith.addi %mul3A_325, %add3A_810 : i32
        %get3A_820 = arith.index_cast %add3A_819 : i32 to index
        %get3A_821 = arith.constant 16 : index
        %get3A_822 = tpu.vector_load %arg7[%get3A_820, %get3A_821] {strides = array<i32>} : memref<200x64xf32, #tpu.memory_space<vmem>>, vector<1x16xf32>,
        %get3A_823 = vector.shape_cast %get3A_822 : vector<1x16xf32> to vector<16xf32>
        %swap3A_824 = arith.index_cast %add3A_810 : i32 to index
        %swap3A_825 = arith.constant 16 : index
        %swap3A_826 = tpu.vector_load %arg10[%swap3A_824, %swap3A_825] {strides = array<i32>} : memref<100x64xf32, #tpu.memory_space<vmem>>, vector<1x16xf32>,
        %swap3A_827 = vector.shape_cast %swap3A_826 : vector<1x16xf32> to vector<16xf32>
        %swap3A_828 = vector.shape_cast %get3A_823 : vector<16xf32> to vector<1x16xf32>
        tpu.vector_store %arg10[%swap3A_824, %swap3A_825], %swap3A_828 {add = true, strides = array<i32>} : memref<100x64xf32, #tpu.memory_space<vmem>>, vector<1x16xf32>,
        %add3A_829 = arith.addi %mul3A_325, %add3A_810 : i32
        %get3A_830 = arith.index_cast %add3A_829 : i32 to index
        %get3A_831 = arith.constant 32 : index
        %get3A_832 = tpu.vector_load %arg7[%get3A_830, %get3A_831] {strides = array<i32>} : memref<200x64xf32, #tpu.memory_space<vmem>>, vector<1x16xf32>,
        %get3A_833 = vector.shape_cast %get3A_832 : vector<1x16xf32> to vector<16xf32>
        %swap3A_834 = arith.index_cast %add3A_810 : i32 to index
        %swap3A_835 = arith.constant 32 : index
        %swap3A_836 = tpu.vector_load %arg10[%swap3A_834, %swap3A_835] {strides = array<i32>} : memref<100x64xf32, #tpu.memory_space<vmem>>, vector<1x16xf32>,
        %swap3A_837 = vector.shape_cast %swap3A_836 : vector<1x16xf32> to vector<16xf32>
        %swap3A_838 = vector.shape_cast %get3A_833 : vector<16xf32> to vector<1x16xf32>
        tpu.vector_store %arg10[%swap3A_834, %swap3A_835], %swap3A_838 {add = true, strides = array<i32>} : memref<100x64xf32, #tpu.memory_space<vmem>>, vector<1x16xf32>,
        %add3A_839 = arith.addi %mul3A_325, %add3A_810 : i32
        %get3A_840 = arith.index_cast %add3A_839 : i32 to index
        %get3A_841 = arith.constant 48 : index
        %get3A_842 = tpu.vector_load %arg7[%get3A_840, %get3A_841] {strides = array<i32>} : memref<200x64xf32, #tpu.memory_space<vmem>>, vector<1x16xf32>,
        %get3A_843 = vector.shape_cast %get3A_842 : vector<1x16xf32> to vector<16xf32>
        %swap3A_844 = arith.index_cast %add3A_810 : i32 to index
        %swap3A_845 = arith.constant 48 : index
        %swap3A_846 = tpu.vector_load %arg10[%swap3A_844, %swap3A_845] {strides = array<i32>} : memref<100x64xf32, #tpu.memory_space<vmem>>, vector<1x16xf32>,
        %swap3A_847 = vector.shape_cast %swap3A_846 : vector<1x16xf32> to vector<16xf32>
        %swap3A_848 = vector.shape_cast %get3A_843 : vector<16xf32> to vector<1x16xf32>
        tpu.vector_store %arg10[%swap3A_844, %swap3A_845], %swap3A_848 {add = true, strides = array<i32>} : memref<100x64xf32, #tpu.memory_space<vmem>>, vector<1x16xf32>,
        %scan3A_849 = arith.constant 1 : i32
        %scan3A_850 = arith.addi %scan3A_806, %scan3A_849 : i32
        %mul3A_851 = arith.constant 1 : i32
        %mul3A_852 = arith.muli %scan3A_850, %mul3A_851 : i32
        %add3A_853 = arith.constant 0 : i32
        %add3A_854 = arith.addi %add3A_853, %mul3A_852 : i32
        %add3A_855 = arith.addi %mul3A_325, %add3A_854 : i32
        %get3A_856 = arith.index_cast %add3A_855 : i32 to index
        %get3A_857 = arith.constant 0 : index
        %get3A_858 = tpu.vector_load %arg7[%get3A_856, %get3A_857] {strides = array<i32>} : memref<200x64xf32, #tpu.memory_space<vmem>>, vector<1x16xf32>,
        %get3A_859 = vector.shape_cast %get3A_858 : vector<1x16xf32> to vector<16xf32>
        %swap3A_860 = arith.index_cast %add3A_854 : i32 to index
        %swap3A_861 = arith.constant 0 : index
        %swap3A_862 = tpu.vector_load %arg10[%swap3A_860, %swap3A_861] {strides = array<i32>} : memref<100x64xf32, #tpu.memory_space<vmem>>, vector<1x16xf32>,
        %swap3A_863 = vector.shape_cast %swap3A_862 : vector<1x16xf32> to vector<16xf32>
        %swap3A_864 = vector.shape_cast %get3A_859 : vector<16xf32> to vector<1x16xf32>
        tpu.vector_store %arg10[%swap3A_860, %swap3A_861], %swap3A_864 {add = true, strides = array<i32>} : memref<100x64xf32, #tpu.memory_space<vmem>>, vector<1x16xf32>,
        %add3A_865 = arith.addi %mul3A_325, %add3A_854 : i32
        %get3A_866 = arith.index_cast %add3A_865 : i32 to index
        %get3A_867 = arith.constant 16 : index
        %get3A_868 = tpu.vector_load %arg7[%get3A_866, %get3A_867] {strides = array<i32>} : memref<200x64xf32, #tpu.memory_space<vmem>>, vector<1x16xf32>,
        %get3A_869 = vector.shape_cast %get3A_868 : vector<1x16xf32> to vector<16xf32>
        %swap3A_870 = arith.index_cast %add3A_854 : i32 to index
        %swap3A_871 = arith.constant 16 : index
        %swap3A_872 = tpu.vector_load %arg10[%swap3A_870, %swap3A_871] {strides = array<i32>} : memref<100x64xf32, #tpu.memory_space<vmem>>, vector<1x16xf32>,
        %swap3A_873 = vector.shape_cast %swap3A_872 : vector<1x16xf32> to vector<16xf32>
        %swap3A_874 = vector.shape_cast %get3A_869 : vector<16xf32> to vector<1x16xf32>
        tpu.vector_store %arg10[%swap3A_870, %swap3A_871], %swap3A_874 {add = true, strides = array<i32>} : memref<100x64xf32, #tpu.memory_space<vmem>>, vector<1x16xf32>,
        %add3A_875 = arith.addi %mul3A_325, %add3A_854 : i32
        %get3A_876 = arith.index_cast %add3A_875 : i32 to index
        %get3A_877 = arith.constant 32 : index
        %get3A_878 = tpu.vector_load %arg7[%get3A_876, %get3A_877] {strides = array<i32>} : memref<200x64xf32, #tpu.memory_space<vmem>>, vector<1x16xf32>,
        %get3A_879 = vector.shape_cast %get3A_878 : vector<1x16xf32> to vector<16xf32>
        %swap3A_880 = arith.index_cast %add3A_854 : i32 to index
        %swap3A_881 = arith.constant 32 : index
        %swap3A_882 = tpu.vector_load %arg10[%swap3A_880, %swap3A_881] {strides = array<i32>} : memref<100x64xf32, #tpu.memory_space<vmem>>, vector<1x16xf32>,
        %swap3A_883 = vector.shape_cast %swap3A_882 : vector<1x16xf32> to vector<16xf32>
        %swap3A_884 = vector.shape_cast %get3A_879 : vector<16xf32> to vector<1x16xf32>
        tpu.vector_store %arg10[%swap3A_880, %swap3A_881], %swap3A_884 {add = true, strides = array<i32>} : memref<100x64xf32, #tpu.memory_space<vmem>>, vector<1x16xf32>,
        %add3A_885 = arith.addi %mul3A_325, %add3A_854 : i32
        %get3A_886 = arith.index_cast %add3A_885 : i32 to index
        %get3A_887 = arith.constant 48 : index
        %get3A_888 = tpu.vector_load %arg7[%get3A_886, %get3A_887] {strides = array<i32>} : memref<200x64xf32, #tpu.memory_space<vmem>>, vector<1x16xf32>,
        %get3A_889 = vector.shape_cast %get3A_888 : vector<1x16xf32> to vector<16xf32>
        %swap3A_890 = arith.index_cast %add3A_854 : i32 to index
        %swap3A_891 = arith.constant 48 : index
        %swap3A_892 = tpu.vector_load %arg10[%swap3A_890, %swap3A_891] {strides = array<i32>} : memref<100x64xf32, #tpu.memory_space<vmem>>, vector<1x16xf32>,
        %swap3A_893 = vector.shape_cast %swap3A_892 : vector<1x16xf32> to vector<16xf32>
        %swap3A_894 = vector.shape_cast %get3A_889 : vector<16xf32> to vector<1x16xf32>
        tpu.vector_store %arg10[%swap3A_890, %swap3A_891], %swap3A_894 {add = true, strides = array<i32>} : memref<100x64xf32, #tpu.memory_space<vmem>>, vector<1x16xf32>,
      }
      %scan3A_330 = arith.constant 100 : i32
      %add3A_331 = arith.addi %mul3A_2, %add3A_302 : i32
      %jit3A_332 = arith.constant 2 : i32
      %div3A_333 = arith.divsi %add3A_331, %jit3A_332 : i32
      %sign3A_334 = arith.constant 0 : i32
      %sign3A_335 = arith.cmpi sgt, %add3A_331, %sign3A_334 : i32
      %sign3A_336 = arith.extui %sign3A_335 : i1 to i32
      %sign3A_337 = arith.constant 0 : i32
      %sign3A_338 = arith.cmpi slt, %add3A_331, %sign3A_337 : i32
      %sign3A_339 = arith.extui %sign3A_338 : i1 to i32
      %sign3A_340 = arith.subi %sign3A_336, %sign3A_339 : i32
      %sign3A_341 = arith.constant 0 : i32
      %sign3A_342 = arith.cmpi sgt, %jit3A_332, %sign3A_341 : i32
      %sign3A_343 = arith.extui %sign3A_342 : i1 to i32
      %sign3A_344 = arith.constant 0 : i32
      %sign3A_345 = arith.cmpi slt, %jit3A_332, %sign3A_344 : i32
      %sign3A_346 = arith.extui %sign3A_345 : i1 to i32
      %sign3A_347 = arith.subi %sign3A_343, %sign3A_346 : i32
      %ne3A_348 = arith.cmpi ne, %sign3A_340, %sign3A_347 : i32
      %rem3A_349 = arith.remsi %add3A_331, %jit3A_332 : i32
      %ne3A_350 = arith.constant 0 : i32
      %ne3A_351 = arith.cmpi ne, %rem3A_349, %ne3A_350 : i32
      %and3A_352 = arith.andi %ne3A_348, %ne3A_351 : i1
      %sub3A_353 = arith.constant 1 : i32
      %sub3A_354 = arith.subi %div3A_333, %sub3A_353 : i32
      %select_n3A_355 = arith.select %and3A_352, %sub3A_354, %div3A_333 : i32
      %rem3A_356 = arith.constant 2 : i32
      %rem3A_357 = arith.remsi %add3A_331, %rem3A_356 : i32
      %mul3A_358 = arith.constant 100 : i32
      %mul3A_359 = arith.muli %rem3A_357, %mul3A_358 : i32
      %dma_start3A_360 = arith.constant 0 : i32
      %dma_start3A_361 = tpu.memref_slice %arg5[%select_n3A_355, %mul3A_359, %dma_start3A_360] : memref<4096x200x64xf32, #tpu.memory_space<hbm>> -> memref<1x100x64xf32, #tpu.memory_space<hbm>>
      %dma_start3A_362 = tpu.memref_squeeze %dma_start3A_361 : memref<1x100x64xf32, #tpu.memory_space<hbm>> -> memref<100x64xf32, #tpu.memory_space<hbm>>
      %dma_start3A_363 = arith.constant 0 : i32
      %dma_start3A_364 = tpu.memref_slice %arg5[%select_n3A_355, %mul3A_359, %dma_start3A_363] : memref<4096x200x64xf32, #tpu.memory_space<hbm>> -> memref<1x100x64xf32, #tpu.memory_space<hbm>>
      %dma_start3A_365 = tpu.memref_squeeze %dma_start3A_364 : memref<1x100x64xf32, #tpu.memory_space<hbm>> -> memref<100x64xf32, #tpu.memory_space<hbm>>
      tpu.enqueue_dma source(%arg10 : memref<100x64xf32, #tpu.memory_space<vmem>>) target(%dma_start3A_365 : memref<100x64xf32, #tpu.memory_space<hbm>>) target_semaphore(%arg26 : memref<!tpu.dma_semaphore, #tpu.memory_space<semaphore_mem>>)
      %add3A_366 = arith.constant 3 : i32
      %add3A_367 = arith.addi %add3A_173, %add3A_366 : i32
      %gt3A_368 = arith.constant 0 : i32
      %gt3A_369 = arith.cmpi sgt, %add3A_173, %gt3A_368 : i32
      %convert_element_type3A_370 = arith.extui %gt3A_369 : i1 to i32
      %cond3A_371 = arith.constant 0 : i32
      %cond3A_372 = arith.cmpi ne, %convert_element_type3A_370, %cond3A_371 : i32
      scf.if %cond3A_372 {
        %sub3A_806 = arith.constant 4 : i32
        %sub3A_807 = arith.subi %add3A_367, %sub3A_806 : i32
        %add3A_808 = arith.addi %mul3A_2, %sub3A_807 : i32
        %jit3A_809 = arith.constant 2 : i32
        %div3A_810 = arith.divsi %add3A_808, %jit3A_809 : i32
        %sign3A_811 = arith.constant 0 : i32
        %sign3A_812 = arith.cmpi sgt, %add3A_808, %sign3A_811 : i32
        %sign3A_813 = arith.extui %sign3A_812 : i1 to i32
        %sign3A_814 = arith.constant 0 : i32
        %sign3A_815 = arith.cmpi slt, %add3A_808, %sign3A_814 : i32
        %sign3A_816 = arith.extui %sign3A_815 : i1 to i32
        %sign3A_817 = arith.subi %sign3A_813, %sign3A_816 : i32
        %sign3A_818 = arith.constant 0 : i32
        %sign3A_819 = arith.cmpi sgt, %jit3A_809, %sign3A_818 : i32
        %sign3A_820 = arith.extui %sign3A_819 : i1 to i32
        %sign3A_821 = arith.constant 0 : i32
        %sign3A_822 = arith.cmpi slt, %jit3A_809, %sign3A_821 : i32
        %sign3A_823 = arith.extui %sign3A_822 : i1 to i32
        %sign3A_824 = arith.subi %sign3A_820, %sign3A_823 : i32
        %ne3A_825 = arith.cmpi ne, %sign3A_817, %sign3A_824 : i32
        %rem3A_826 = arith.remsi %add3A_808, %jit3A_809 : i32
        %ne3A_827 = arith.constant 0 : i32
        %ne3A_828 = arith.cmpi ne, %rem3A_826, %ne3A_827 : i32
        %and3A_829 = arith.andi %ne3A_825, %ne3A_828 : i1
        %sub3A_830 = arith.constant 1 : i32
        %sub3A_831 = arith.subi %div3A_810, %sub3A_830 : i32
        %select_n3A_832 = arith.select %and3A_829, %sub3A_831, %div3A_810 : i32
        %rem3A_833 = arith.constant 2 : i32
        %rem3A_834 = arith.remsi %add3A_808, %rem3A_833 : i32
        %mul3A_835 = arith.constant 100 : i32
        %mul3A_836 = arith.muli %rem3A_834, %mul3A_835 : i32
        %dma_wait3A_837 = arith.constant 0 : i32
        %dma_wait3A_838 = tpu.memref_slice %arg5[%select_n3A_832, %mul3A_836, %dma_wait3A_837] : memref<4096x200x64xf32, #tpu.memory_space<hbm>> -> memref<1x100x64xf32, #tpu.memory_space<hbm>>
        %dma_wait3A_839 = tpu.memref_squeeze %dma_wait3A_838 : memref<1x100x64xf32, #tpu.memory_space<hbm>> -> memref<100x64xf32, #tpu.memory_space<hbm>>
        %dma_wait3A_840 = arith.constant 0 : i32
        %dma_wait3A_841 = tpu.memref_slice %arg5[%select_n3A_832, %mul3A_836, %dma_wait3A_840] : memref<4096x200x64xf32, #tpu.memory_space<hbm>> -> memref<1x100x64xf32, #tpu.memory_space<hbm>>
        %dma_wait3A_842 = tpu.memref_squeeze %dma_wait3A_841 : memref<1x100x64xf32, #tpu.memory_space<hbm>> -> memref<100x64xf32, #tpu.memory_space<hbm>>
        tpu.wait_dma2 semaphore(%arg31 : memref<!tpu.dma_semaphore, #tpu.memory_space<semaphore_mem>>) src(%arg15 : memref<100x64xf32, #tpu.memory_space<vmem>>) dst(%dma_wait3A_842 : memref<100x64xf32, #tpu.memory_space<hbm>>)
      } else {
      }
      %add3A_373 = arith.constant 4 : i32
      %add3A_374 = arith.addi %add3A_367, %add3A_373 : i32
      %dma_start3A_375 = arith.constant 0 : i32
      %dma_start3A_376 = tpu.memref_slice %arg6[%add3A_374, %dma_start3A_375] : memref<256x100xi32, #tpu.memory_space<vmem>> -> memref<1x100xi32, #tpu.memory_space<vmem>>
      %dma_start3A_377 = tpu.memref_squeeze %dma_start3A_376 : memref<1x100xi32, #tpu.memory_space<vmem>> -> memref<100xi32, #tpu.memory_space<vmem>>
      %dma_start3A_378 = arith.constant 0 : i32
      %dma_start3A_379 = arith.constant 0 : i32
      %dma_start3A_380 = tpu.memref_slice %arg3[%dma_start3A_378, %dma_start3A_379] : memref<100000x64xf32, #tpu.memory_space<hbm>> -> memref<100000x64xf32, #tpu.memory_space<hbm>>
      tpu.enqueue_indirect_dma source(%dma_start3A_380 : memref<100000x64xf32, #tpu.memory_space<hbm>>) target(%arg15 : memref<100x64xf32, #tpu.memory_space<vmem>>) offsets(%dma_start3A_377 : memref<100xi32, #tpu.memory_space<vmem>>) semaphore(%arg23 : memref<!tpu.dma_semaphore, #tpu.memory_space<semaphore_mem>>)
      %dma_wait3A_381 = arith.constant 0 : i32
      %dma_wait3A_382 = tpu.memref_slice %arg6[%add3A_367, %dma_wait3A_381] : memref<256x100xi32, #tpu.memory_space<vmem>> -> memref<1x100xi32, #tpu.memory_space<vmem>>
      %dma_wait3A_383 = tpu.memref_squeeze %dma_wait3A_382 : memref<1x100xi32, #tpu.memory_space<vmem>> -> memref<100xi32, #tpu.memory_space<vmem>>
      %dma_wait3A_384 = arith.constant 0 : i32
      %dma_wait3A_385 = arith.constant 0 : i32
      %dma_wait3A_386 = tpu.memref_slice %arg3[%dma_wait3A_384, %dma_wait3A_385] : memref<100000x64xf32, #tpu.memory_space<hbm>> -> memref<100000x64xf32, #tpu.memory_space<hbm>>
      tpu.wait_indirect_dma semaphore(%arg19 : memref<!tpu.dma_semaphore, #tpu.memory_space<semaphore_mem>>) src(%dma_wait3A_386 : memref<100000x64xf32, #tpu.memory_space<hbm>>) dst(%arg11 : memref<100x64xf32, #tpu.memory_space<vmem>>)
      %rem3A_387 = arith.constant 2 : i32
      %rem3A_388 = arith.remsi %add3A_367, %rem3A_387 : i32
      %mul3A_389 = arith.constant 100 : i32
      %mul3A_390 = arith.muli %rem3A_388, %mul3A_389 : i32
      %scan3A_391 = arith.constant 0 : i32
      %scan3A_392 = arith.constant 100 : i32
      %scan3A_393 = arith.addi %scan3A_391, %scan3A_392 : i32
      %scan3A_394 = arith.constant 2 : i32
      scf.for %scan3A_806 = %scan3A_391 to %scan3A_393 step %scan3A_394  : i32 {
        %mul3A_807 = arith.constant 1 : i32
        %mul3A_808 = arith.muli %scan3A_806, %mul3A_807 : i32
        %add3A_809 = arith.constant 0 : i32
        %add3A_810 = arith.addi %add3A_809, %mul3A_808 : i32
        %add3A_811 = arith.addi %mul3A_390, %add3A_810 : i32
        %get3A = arith.index_cast %add3A_811 : i32 to index
        %get3A_812 = arith.constant 0 : index
        %get3A_813 = tpu.vector_load %arg7[%get3A, %get3A_812] {strides = array<i32>} : memref<200x64xf32, #tpu.memory_space<vmem>>, vector<1x16xf32>,
        %get3A_814 = vector.shape_cast %get3A_813 : vector<1x16xf32> to vector<16xf32>
        %swap3A = arith.index_cast %add3A_810 : i32 to index
        %swap3A_815 = arith.constant 0 : index
        %swap3A_816 = tpu.vector_load %arg11[%swap3A, %swap3A_815] {strides = array<i32>} : memref<100x64xf32, #tpu.memory_space<vmem>>, vector<1x16xf32>,
        %swap3A_817 = vector.shape_cast %swap3A_816 : vector<1x16xf32> to vector<16xf32>
        %swap3A_818 = vector.shape_cast %get3A_814 : vector<16xf32> to vector<1x16xf32>
        tpu.vector_store %arg11[%swap3A, %swap3A_815], %swap3A_818 {add = true, strides = array<i32>} : memref<100x64xf32, #tpu.memory_space<vmem>>, vector<1x16xf32>,
        %add3A_819 = arith.addi %mul3A_390, %add3A_810 : i32
        %get3A_820 = arith.index_cast %add3A_819 : i32 to index
        %get3A_821 = arith.constant 16 : index
        %get3A_822 = tpu.vector_load %arg7[%get3A_820, %get3A_821] {strides = array<i32>} : memref<200x64xf32, #tpu.memory_space<vmem>>, vector<1x16xf32>,
        %get3A_823 = vector.shape_cast %get3A_822 : vector<1x16xf32> to vector<16xf32>
        %swap3A_824 = arith.index_cast %add3A_810 : i32 to index
        %swap3A_825 = arith.constant 16 : index
        %swap3A_826 = tpu.vector_load %arg11[%swap3A_824, %swap3A_825] {strides = array<i32>} : memref<100x64xf32, #tpu.memory_space<vmem>>, vector<1x16xf32>,
        %swap3A_827 = vector.shape_cast %swap3A_826 : vector<1x16xf32> to vector<16xf32>
        %swap3A_828 = vector.shape_cast %get3A_823 : vector<16xf32> to vector<1x16xf32>
        tpu.vector_store %arg11[%swap3A_824, %swap3A_825], %swap3A_828 {add = true, strides = array<i32>} : memref<100x64xf32, #tpu.memory_space<vmem>>, vector<1x16xf32>,
        %add3A_829 = arith.addi %mul3A_390, %add3A_810 : i32
        %get3A_830 = arith.index_cast %add3A_829 : i32 to index
        %get3A_831 = arith.constant 32 : index
        %get3A_832 = tpu.vector_load %arg7[%get3A_830, %get3A_831] {strides = array<i32>} : memref<200x64xf32, #tpu.memory_space<vmem>>, vector<1x16xf32>,
        %get3A_833 = vector.shape_cast %get3A_832 : vector<1x16xf32> to vector<16xf32>
        %swap3A_834 = arith.index_cast %add3A_810 : i32 to index
        %swap3A_835 = arith.constant 32 : index
        %swap3A_836 = tpu.vector_load %arg11[%swap3A_834, %swap3A_835] {strides = array<i32>} : memref<100x64xf32, #tpu.memory_space<vmem>>, vector<1x16xf32>,
        %swap3A_837 = vector.shape_cast %swap3A_836 : vector<1x16xf32> to vector<16xf32>
        %swap3A_838 = vector.shape_cast %get3A_833 : vector<16xf32> to vector<1x16xf32>
        tpu.vector_store %arg11[%swap3A_834, %swap3A_835], %swap3A_838 {add = true, strides = array<i32>} : memref<100x64xf32, #tpu.memory_space<vmem>>, vector<1x16xf32>,
        %add3A_839 = arith.addi %mul3A_390, %add3A_810 : i32
        %get3A_840 = arith.index_cast %add3A_839 : i32 to index
        %get3A_841 = arith.constant 48 : index
        %get3A_842 = tpu.vector_load %arg7[%get3A_840, %get3A_841] {strides = array<i32>} : memref<200x64xf32, #tpu.memory_space<vmem>>, vector<1x16xf32>,
        %get3A_843 = vector.shape_cast %get3A_842 : vector<1x16xf32> to vector<16xf32>
        %swap3A_844 = arith.index_cast %add3A_810 : i32 to index
        %swap3A_845 = arith.constant 48 : index
        %swap3A_846 = tpu.vector_load %arg11[%swap3A_844, %swap3A_845] {strides = array<i32>} : memref<100x64xf32, #tpu.memory_space<vmem>>, vector<1x16xf32>,
        %swap3A_847 = vector.shape_cast %swap3A_846 : vector<1x16xf32> to vector<16xf32>
        %swap3A_848 = vector.shape_cast %get3A_843 : vector<16xf32> to vector<1x16xf32>
        tpu.vector_store %arg11[%swap3A_844, %swap3A_845], %swap3A_848 {add = true, strides = array<i32>} : memref<100x64xf32, #tpu.memory_space<vmem>>, vector<1x16xf32>,
        %scan3A_849 = arith.constant 1 : i32
        %scan3A_850 = arith.addi %scan3A_806, %scan3A_849 : i32
        %mul3A_851 = arith.constant 1 : i32
        %mul3A_852 = arith.muli %scan3A_850, %mul3A_851 : i32
        %add3A_853 = arith.constant 0 : i32
        %add3A_854 = arith.addi %add3A_853, %mul3A_852 : i32
        %add3A_855 = arith.addi %mul3A_390, %add3A_854 : i32
        %get3A_856 = arith.index_cast %add3A_855 : i32 to index
        %get3A_857 = arith.constant 0 : index
        %get3A_858 = tpu.vector_load %arg7[%get3A_856, %get3A_857] {strides = array<i32>} : memref<200x64xf32, #tpu.memory_space<vmem>>, vector<1x16xf32>,
        %get3A_859 = vector.shape_cast %get3A_858 : vector<1x16xf32> to vector<16xf32>
        %swap3A_860 = arith.index_cast %add3A_854 : i32 to index
        %swap3A_861 = arith.constant 0 : index
        %swap3A_862 = tpu.vector_load %arg11[%swap3A_860, %swap3A_861] {strides = array<i32>} : memref<100x64xf32, #tpu.memory_space<vmem>>, vector<1x16xf32>,
        %swap3A_863 = vector.shape_cast %swap3A_862 : vector<1x16xf32> to vector<16xf32>
        %swap3A_864 = vector.shape_cast %get3A_859 : vector<16xf32> to vector<1x16xf32>
        tpu.vector_store %arg11[%swap3A_860, %swap3A_861], %swap3A_864 {add = true, strides = array<i32>} : memref<100x64xf32, #tpu.memory_space<vmem>>, vector<1x16xf32>,
        %add3A_865 = arith.addi %mul3A_390, %add3A_854 : i32
        %get3A_866 = arith.index_cast %add3A_865 : i32 to index
        %get3A_867 = arith.constant 16 : index
        %get3A_868 = tpu.vector_load %arg7[%get3A_866, %get3A_867] {strides = array<i32>} : memref<200x64xf32, #tpu.memory_space<vmem>>, vector<1x16xf32>,
        %get3A_869 = vector.shape_cast %get3A_868 : vector<1x16xf32> to vector<16xf32>
        %swap3A_870 = arith.index_cast %add3A_854 : i32 to index
        %swap3A_871 = arith.constant 16 : index
        %swap3A_872 = tpu.vector_load %arg11[%swap3A_870, %swap3A_871] {strides = array<i32>} : memref<100x64xf32, #tpu.memory_space<vmem>>, vector<1x16xf32>,
        %swap3A_873 = vector.shape_cast %swap3A_872 : vector<1x16xf32> to vector<16xf32>
        %swap3A_874 = vector.shape_cast %get3A_869 : vector<16xf32> to vector<1x16xf32>
        tpu.vector_store %arg11[%swap3A_870, %swap3A_871], %swap3A_874 {add = true, strides = array<i32>} : memref<100x64xf32, #tpu.memory_space<vmem>>, vector<1x16xf32>,
        %add3A_875 = arith.addi %mul3A_390, %add3A_854 : i32
        %get3A_876 = arith.index_cast %add3A_875 : i32 to index
        %get3A_877 = arith.constant 32 : index
        %get3A_878 = tpu.vector_load %arg7[%get3A_876, %get3A_877] {strides = array<i32>} : memref<200x64xf32, #tpu.memory_space<vmem>>, vector<1x16xf32>,
        %get3A_879 = vector.shape_cast %get3A_878 : vector<1x16xf32> to vector<16xf32>
        %swap3A_880 = arith.index_cast %add3A_854 : i32 to index
        %swap3A_881 = arith.constant 32 : index
        %swap3A_882 = tpu.vector_load %arg11[%swap3A_880, %swap3A_881] {strides = array<i32>} : memref<100x64xf32, #tpu.memory_space<vmem>>, vector<1x16xf32>,
        %swap3A_883 = vector.shape_cast %swap3A_882 : vector<1x16xf32> to vector<16xf32>
        %swap3A_884 = vector.shape_cast %get3A_879 : vector<16xf32> to vector<1x16xf32>
        tpu.vector_store %arg11[%swap3A_880, %swap3A_881], %swap3A_884 {add = true, strides = array<i32>} : memref<100x64xf32, #tpu.memory_space<vmem>>, vector<1x16xf32>,
        %add3A_885 = arith.addi %mul3A_390, %add3A_854 : i32
        %get3A_886 = arith.index_cast %add3A_885 : i32 to index
        %get3A_887 = arith.constant 48 : index
        %get3A_888 = tpu.vector_load %arg7[%get3A_886, %get3A_887] {strides = array<i32>} : memref<200x64xf32, #tpu.memory_space<vmem>>, vector<1x16xf32>,
        %get3A_889 = vector.shape_cast %get3A_888 : vector<1x16xf32> to vector<16xf32>
        %swap3A_890 = arith.index_cast %add3A_854 : i32 to index
        %swap3A_891 = arith.constant 48 : index
        %swap3A_892 = tpu.vector_load %arg11[%swap3A_890, %swap3A_891] {strides = array<i32>} : memref<100x64xf32, #tpu.memory_space<vmem>>, vector<1x16xf32>,
        %swap3A_893 = vector.shape_cast %swap3A_892 : vector<1x16xf32> to vector<16xf32>
        %swap3A_894 = vector.shape_cast %get3A_889 : vector<16xf32> to vector<1x16xf32>
        tpu.vector_store %arg11[%swap3A_890, %swap3A_891], %swap3A_894 {add = true, strides = array<i32>} : memref<100x64xf32, #tpu.memory_space<vmem>>, vector<1x16xf32>,
      }
      %scan3A_395 = arith.constant 100 : i32
      %add3A_396 = arith.addi %mul3A_2, %add3A_367 : i32
      %jit3A_397 = arith.constant 2 : i32
      %div3A_398 = arith.divsi %add3A_396, %jit3A_397 : i32
      %sign3A_399 = arith.constant 0 : i32
      %sign3A_400 = arith.cmpi sgt, %add3A_396, %sign3A_399 : i32
      %sign3A_401 = arith.extui %sign3A_400 : i1 to i32
      %sign3A_402 = arith.constant 0 : i32
      %sign3A_403 = arith.cmpi slt, %add3A_396, %sign3A_402 : i32
      %sign3A_404 = arith.extui %sign3A_403 : i1 to i32
      %sign3A_405 = arith.subi %sign3A_401, %sign3A_404 : i32
      %sign3A_406 = arith.constant 0 : i32
      %sign3A_407 = arith.cmpi sgt, %jit3A_397, %sign3A_406 : i32
      %sign3A_408 = arith.extui %sign3A_407 : i1 to i32
      %sign3A_409 = arith.constant 0 : i32
      %sign3A_410 = arith.cmpi slt, %jit3A_397, %sign3A_409 : i32
      %sign3A_411 = arith.extui %sign3A_410 : i1 to i32
      %sign3A_412 = arith.subi %sign3A_408, %sign3A_411 : i32
      %ne3A_413 = arith.cmpi ne, %sign3A_405, %sign3A_412 : i32
      %rem3A_414 = arith.remsi %add3A_396, %jit3A_397 : i32
      %ne3A_415 = arith.constant 0 : i32
      %ne3A_416 = arith.cmpi ne, %rem3A_414, %ne3A_415 : i32
      %and3A_417 = arith.andi %ne3A_413, %ne3A_416 : i1
      %sub3A_418 = arith.constant 1 : i32
      %sub3A_419 = arith.subi %div3A_398, %sub3A_418 : i32
      %select_n3A_420 = arith.select %and3A_417, %sub3A_419, %div3A_398 : i32
      %rem3A_421 = arith.constant 2 : i32
      %rem3A_422 = arith.remsi %add3A_396, %rem3A_421 : i32
      %mul3A_423 = arith.constant 100 : i32
      %mul3A_424 = arith.muli %rem3A_422, %mul3A_423 : i32
      %dma_start3A_425 = arith.constant 0 : i32
      %dma_start3A_426 = tpu.memref_slice %arg5[%select_n3A_420, %mul3A_424, %dma_start3A_425] : memref<4096x200x64xf32, #tpu.memory_space<hbm>> -> memref<1x100x64xf32, #tpu.memory_space<hbm>>
      %dma_start3A_427 = tpu.memref_squeeze %dma_start3A_426 : memref<1x100x64xf32, #tpu.memory_space<hbm>> -> memref<100x64xf32, #tpu.memory_space<hbm>>
      %dma_start3A_428 = arith.constant 0 : i32
      %dma_start3A_429 = tpu.memref_slice %arg5[%select_n3A_420, %mul3A_424, %dma_start3A_428] : memref<4096x200x64xf32, #tpu.memory_space<hbm>> -> memref<1x100x64xf32, #tpu.memory_space<hbm>>
      %dma_start3A_430 = tpu.memref_squeeze %dma_start3A_429 : memref<1x100x64xf32, #tpu.memory_space<hbm>> -> memref<100x64xf32, #tpu.memory_space<hbm>>
      tpu.enqueue_dma source(%arg11 : memref<100x64xf32, #tpu.memory_space<vmem>>) target(%dma_start3A_430 : memref<100x64xf32, #tpu.memory_space<hbm>>) target_semaphore(%arg27 : memref<!tpu.dma_semaphore, #tpu.memory_space<semaphore_mem>>)
      %add3A_431 = arith.constant 4 : i32
      %add3A_432 = arith.addi %add3A_173, %add3A_431 : i32
      %sub3A_433 = arith.constant 4 : i32
      %sub3A_434 = arith.subi %add3A_432, %sub3A_433 : i32
      %add3A_435 = arith.addi %mul3A_2, %sub3A_434 : i32
      %jit3A_436 = arith.constant 2 : i32
      %div3A_437 = arith.divsi %add3A_435, %jit3A_436 : i32
      %sign3A_438 = arith.constant 0 : i32
      %sign3A_439 = arith.cmpi sgt, %add3A_435, %sign3A_438 : i32
      %sign3A_440 = arith.extui %sign3A_439 : i1 to i32
      %sign3A_441 = arith.constant 0 : i32
      %sign3A_442 = arith.cmpi slt, %add3A_435, %sign3A_441 : i32
      %sign3A_443 = arith.extui %sign3A_442 : i1 to i32
      %sign3A_444 = arith.subi %sign3A_440, %sign3A_443 : i32
      %sign3A_445 = arith.constant 0 : i32
      %sign3A_446 = arith.cmpi sgt, %jit3A_436, %sign3A_445 : i32
      %sign3A_447 = arith.extui %sign3A_446 : i1 to i32
      %sign3A_448 = arith.constant 0 : i32
      %sign3A_449 = arith.cmpi slt, %jit3A_436, %sign3A_448 : i32
      %sign3A_450 = arith.extui %sign3A_449 : i1 to i32
      %sign3A_451 = arith.subi %sign3A_447, %sign3A_450 : i32
      %ne3A_452 = arith.cmpi ne, %sign3A_444, %sign3A_451 : i32
      %rem3A_453 = arith.remsi %add3A_435, %jit3A_436 : i32
      %ne3A_454 = arith.constant 0 : i32
      %ne3A_455 = arith.cmpi ne, %rem3A_453, %ne3A_454 : i32
      %and3A_456 = arith.andi %ne3A_452, %ne3A_455 : i1
      %sub3A_457 = arith.constant 1 : i32
      %sub3A_458 = arith.subi %div3A_437, %sub3A_457 : i32
      %select_n3A_459 = arith.select %and3A_456, %sub3A_458, %div3A_437 : i32
      %rem3A_460 = arith.constant 2 : i32
      %rem3A_461 = arith.remsi %add3A_435, %rem3A_460 : i32
      %mul3A_462 = arith.constant 100 : i32
      %mul3A_463 = arith.muli %rem3A_461, %mul3A_462 : i32
      %dma_wait3A_464 = arith.constant 0 : i32
      %dma_wait3A_465 = tpu.memref_slice %arg5[%select_n3A_459, %mul3A_463, %dma_wait3A_464] : memref<4096x200x64xf32, #tpu.memory_space<hbm>> -> memref<1x100x64xf32, #tpu.memory_space<hbm>>
      %dma_wait3A_466 = tpu.memref_squeeze %dma_wait3A_465 : memref<1x100x64xf32, #tpu.memory_space<hbm>> -> memref<100x64xf32, #tpu.memory_space<hbm>>
      %dma_wait3A_467 = arith.constant 0 : i32
      %dma_wait3A_468 = tpu.memref_slice %arg5[%select_n3A_459, %mul3A_463, %dma_wait3A_467] : memref<4096x200x64xf32, #tpu.memory_space<hbm>> -> memref<1x100x64xf32, #tpu.memory_space<hbm>>
      %dma_wait3A_469 = tpu.memref_squeeze %dma_wait3A_468 : memref<1x100x64xf32, #tpu.memory_space<hbm>> -> memref<100x64xf32, #tpu.memory_space<hbm>>
      tpu.wait_dma2 semaphore(%arg24 : memref<!tpu.dma_semaphore, #tpu.memory_space<semaphore_mem>>) src(%arg8 : memref<100x64xf32, #tpu.memory_space<vmem>>) dst(%dma_wait3A_469 : memref<100x64xf32, #tpu.memory_space<hbm>>)
      %lt3A = arith.constant 248 : i32
      %lt3A_470 = arith.cmpi slt, %add3A_173, %lt3A : i32
      %convert_element_type3A_471 = arith.extui %lt3A_470 : i1 to i32
      %cond3A_472 = arith.constant 0 : i32
      %cond3A_473 = arith.cmpi ne, %convert_element_type3A_471, %cond3A_472 : i32
      scf.if %cond3A_473 {
        %add3A_806 = arith.constant 4 : i32
        %add3A_807 = arith.addi %add3A_432, %add3A_806 : i32
        %dma_start3A_808 = arith.constant 0 : i32
        %dma_start3A_809 = tpu.memref_slice %arg6[%add3A_807, %dma_start3A_808] : memref<256x100xi32, #tpu.memory_space<vmem>> -> memref<1x100xi32, #tpu.memory_space<vmem>>
        %dma_start3A_810 = tpu.memref_squeeze %dma_start3A_809 : memref<1x100xi32, #tpu.memory_space<vmem>> -> memref<100xi32, #tpu.memory_space<vmem>>
        %dma_start3A_811 = arith.constant 0 : i32
        %dma_start3A_812 = arith.constant 0 : i32
        %dma_start3A_813 = tpu.memref_slice %arg3[%dma_start3A_811, %dma_start3A_812] : memref<100000x64xf32, #tpu.memory_space<hbm>> -> memref<100000x64xf32, #tpu.memory_space<hbm>>
        tpu.enqueue_indirect_dma source(%dma_start3A_813 : memref<100000x64xf32, #tpu.memory_space<hbm>>) target(%arg8 : memref<100x64xf32, #tpu.memory_space<vmem>>) offsets(%dma_start3A_810 : memref<100xi32, #tpu.memory_space<vmem>>) semaphore(%arg16 : memref<!tpu.dma_semaphore, #tpu.memory_space<semaphore_mem>>)
      } else {
      }
      %dma_wait3A_474 = arith.constant 0 : i32
      %dma_wait3A_475 = tpu.memref_slice %arg6[%add3A_432, %dma_wait3A_474] : memref<256x100xi32, #tpu.memory_space<vmem>> -> memref<1x100xi32, #tpu.memory_space<vmem>>
      %dma_wait3A_476 = tpu.memref_squeeze %dma_wait3A_475 : memref<1x100xi32, #tpu.memory_space<vmem>> -> memref<100xi32, #tpu.memory_space<vmem>>
      %dma_wait3A_477 = arith.constant 0 : i32
      %dma_wait3A_478 = arith.constant 0 : i32
      %dma_wait3A_479 = tpu.memref_slice %arg3[%dma_wait3A_477, %dma_wait3A_478] : memref<100000x64xf32, #tpu.memory_space<hbm>> -> memref<100000x64xf32, #tpu.memory_space<hbm>>
      tpu.wait_indirect_dma semaphore(%arg20 : memref<!tpu.dma_semaphore, #tpu.memory_space<semaphore_mem>>) src(%dma_wait3A_479 : memref<100000x64xf32, #tpu.memory_space<hbm>>) dst(%arg12 : memref<100x64xf32, #tpu.memory_space<vmem>>)
      %rem3A_480 = arith.constant 2 : i32
      %rem3A_481 = arith.remsi %add3A_432, %rem3A_480 : i32
      %mul3A_482 = arith.constant 100 : i32
      %mul3A_483 = arith.muli %rem3A_481, %mul3A_482 : i32
      %scan3A_484 = arith.constant 0 : i32
      %scan3A_485 = arith.constant 100 : i32
      %scan3A_486 = arith.addi %scan3A_484, %scan3A_485 : i32
      %scan3A_487 = arith.constant 2 : i32
      scf.for %scan3A_806 = %scan3A_484 to %scan3A_486 step %scan3A_487  : i32 {
        %mul3A_807 = arith.constant 1 : i32
        %mul3A_808 = arith.muli %scan3A_806, %mul3A_807 : i32
        %add3A_809 = arith.constant 0 : i32
        %add3A_810 = arith.addi %add3A_809, %mul3A_808 : i32
        %add3A_811 = arith.addi %mul3A_483, %add3A_810 : i32
        %get3A = arith.index_cast %add3A_811 : i32 to index
        %get3A_812 = arith.constant 0 : index
        %get3A_813 = tpu.vector_load %arg7[%get3A, %get3A_812] {strides = array<i32>} : memref<200x64xf32, #tpu.memory_space<vmem>>, vector<1x16xf32>,
        %get3A_814 = vector.shape_cast %get3A_813 : vector<1x16xf32> to vector<16xf32>
        %swap3A = arith.index_cast %add3A_810 : i32 to index
        %swap3A_815 = arith.constant 0 : index
        %swap3A_816 = tpu.vector_load %arg12[%swap3A, %swap3A_815] {strides = array<i32>} : memref<100x64xf32, #tpu.memory_space<vmem>>, vector<1x16xf32>,
        %swap3A_817 = vector.shape_cast %swap3A_816 : vector<1x16xf32> to vector<16xf32>
        %swap3A_818 = vector.shape_cast %get3A_814 : vector<16xf32> to vector<1x16xf32>
        tpu.vector_store %arg12[%swap3A, %swap3A_815], %swap3A_818 {add = true, strides = array<i32>} : memref<100x64xf32, #tpu.memory_space<vmem>>, vector<1x16xf32>,
        %add3A_819 = arith.addi %mul3A_483, %add3A_810 : i32
        %get3A_820 = arith.index_cast %add3A_819 : i32 to index
        %get3A_821 = arith.constant 16 : index
        %get3A_822 = tpu.vector_load %arg7[%get3A_820, %get3A_821] {strides = array<i32>} : memref<200x64xf32, #tpu.memory_space<vmem>>, vector<1x16xf32>,
        %get3A_823 = vector.shape_cast %get3A_822 : vector<1x16xf32> to vector<16xf32>
        %swap3A_824 = arith.index_cast %add3A_810 : i32 to index
        %swap3A_825 = arith.constant 16 : index
        %swap3A_826 = tpu.vector_load %arg12[%swap3A_824, %swap3A_825] {strides = array<i32>} : memref<100x64xf32, #tpu.memory_space<vmem>>, vector<1x16xf32>,
        %swap3A_827 = vector.shape_cast %swap3A_826 : vector<1x16xf32> to vector<16xf32>
        %swap3A_828 = vector.shape_cast %get3A_823 : vector<16xf32> to vector<1x16xf32>
        tpu.vector_store %arg12[%swap3A_824, %swap3A_825], %swap3A_828 {add = true, strides = array<i32>} : memref<100x64xf32, #tpu.memory_space<vmem>>, vector<1x16xf32>,
        %add3A_829 = arith.addi %mul3A_483, %add3A_810 : i32
        %get3A_830 = arith.index_cast %add3A_829 : i32 to index
        %get3A_831 = arith.constant 32 : index
        %get3A_832 = tpu.vector_load %arg7[%get3A_830, %get3A_831] {strides = array<i32>} : memref<200x64xf32, #tpu.memory_space<vmem>>, vector<1x16xf32>,
        %get3A_833 = vector.shape_cast %get3A_832 : vector<1x16xf32> to vector<16xf32>
        %swap3A_834 = arith.index_cast %add3A_810 : i32 to index
        %swap3A_835 = arith.constant 32 : index
        %swap3A_836 = tpu.vector_load %arg12[%swap3A_834, %swap3A_835] {strides = array<i32>} : memref<100x64xf32, #tpu.memory_space<vmem>>, vector<1x16xf32>,
        %swap3A_837 = vector.shape_cast %swap3A_836 : vector<1x16xf32> to vector<16xf32>
        %swap3A_838 = vector.shape_cast %get3A_833 : vector<16xf32> to vector<1x16xf32>
        tpu.vector_store %arg12[%swap3A_834, %swap3A_835], %swap3A_838 {add = true, strides = array<i32>} : memref<100x64xf32, #tpu.memory_space<vmem>>, vector<1x16xf32>,
        %add3A_839 = arith.addi %mul3A_483, %add3A_810 : i32
        %get3A_840 = arith.index_cast %add3A_839 : i32 to index
        %get3A_841 = arith.constant 48 : index
        %get3A_842 = tpu.vector_load %arg7[%get3A_840, %get3A_841] {strides = array<i32>} : memref<200x64xf32, #tpu.memory_space<vmem>>, vector<1x16xf32>,
        %get3A_843 = vector.shape_cast %get3A_842 : vector<1x16xf32> to vector<16xf32>
        %swap3A_844 = arith.index_cast %add3A_810 : i32 to index
        %swap3A_845 = arith.constant 48 : index
        %swap3A_846 = tpu.vector_load %arg12[%swap3A_844, %swap3A_845] {strides = array<i32>} : memref<100x64xf32, #tpu.memory_space<vmem>>, vector<1x16xf32>,
        %swap3A_847 = vector.shape_cast %swap3A_846 : vector<1x16xf32> to vector<16xf32>
        %swap3A_848 = vector.shape_cast %get3A_843 : vector<16xf32> to vector<1x16xf32>
        tpu.vector_store %arg12[%swap3A_844, %swap3A_845], %swap3A_848 {add = true, strides = array<i32>} : memref<100x64xf32, #tpu.memory_space<vmem>>, vector<1x16xf32>,
        %scan3A_849 = arith.constant 1 : i32
        %scan3A_850 = arith.addi %scan3A_806, %scan3A_849 : i32
        %mul3A_851 = arith.constant 1 : i32
        %mul3A_852 = arith.muli %scan3A_850, %mul3A_851 : i32
        %add3A_853 = arith.constant 0 : i32
        %add3A_854 = arith.addi %add3A_853, %mul3A_852 : i32
        %add3A_855 = arith.addi %mul3A_483, %add3A_854 : i32
        %get3A_856 = arith.index_cast %add3A_855 : i32 to index
        %get3A_857 = arith.constant 0 : index
        %get3A_858 = tpu.vector_load %arg7[%get3A_856, %get3A_857] {strides = array<i32>} : memref<200x64xf32, #tpu.memory_space<vmem>>, vector<1x16xf32>,
        %get3A_859 = vector.shape_cast %get3A_858 : vector<1x16xf32> to vector<16xf32>
        %swap3A_860 = arith.index_cast %add3A_854 : i32 to index
        %swap3A_861 = arith.constant 0 : index
        %swap3A_862 = tpu.vector_load %arg12[%swap3A_860, %swap3A_861] {strides = array<i32>} : memref<100x64xf32, #tpu.memory_space<vmem>>, vector<1x16xf32>,
        %swap3A_863 = vector.shape_cast %swap3A_862 : vector<1x16xf32> to vector<16xf32>
        %swap3A_864 = vector.shape_cast %get3A_859 : vector<16xf32> to vector<1x16xf32>
        tpu.vector_store %arg12[%swap3A_860, %swap3A_861], %swap3A_864 {add = true, strides = array<i32>} : memref<100x64xf32, #tpu.memory_space<vmem>>, vector<1x16xf32>,
        %add3A_865 = arith.addi %mul3A_483, %add3A_854 : i32
        %get3A_866 = arith.index_cast %add3A_865 : i32 to index
        %get3A_867 = arith.constant 16 : index
        %get3A_868 = tpu.vector_load %arg7[%get3A_866, %get3A_867] {strides = array<i32>} : memref<200x64xf32, #tpu.memory_space<vmem>>, vector<1x16xf32>,
        %get3A_869 = vector.shape_cast %get3A_868 : vector<1x16xf32> to vector<16xf32>
        %swap3A_870 = arith.index_cast %add3A_854 : i32 to index
        %swap3A_871 = arith.constant 16 : index
        %swap3A_872 = tpu.vector_load %arg12[%swap3A_870, %swap3A_871] {strides = array<i32>} : memref<100x64xf32, #tpu.memory_space<vmem>>, vector<1x16xf32>,
        %swap3A_873 = vector.shape_cast %swap3A_872 : vector<1x16xf32> to vector<16xf32>
        %swap3A_874 = vector.shape_cast %get3A_869 : vector<16xf32> to vector<1x16xf32>
        tpu.vector_store %arg12[%swap3A_870, %swap3A_871], %swap3A_874 {add = true, strides = array<i32>} : memref<100x64xf32, #tpu.memory_space<vmem>>, vector<1x16xf32>,
        %add3A_875 = arith.addi %mul3A_483, %add3A_854 : i32
        %get3A_876 = arith.index_cast %add3A_875 : i32 to index
        %get3A_877 = arith.constant 32 : index
        %get3A_878 = tpu.vector_load %arg7[%get3A_876, %get3A_877] {strides = array<i32>} : memref<200x64xf32, #tpu.memory_space<vmem>>, vector<1x16xf32>,
        %get3A_879 = vector.shape_cast %get3A_878 : vector<1x16xf32> to vector<16xf32>
        %swap3A_880 = arith.index_cast %add3A_854 : i32 to index
        %swap3A_881 = arith.constant 32 : index
        %swap3A_882 = tpu.vector_load %arg12[%swap3A_880, %swap3A_881] {strides = array<i32>} : memref<100x64xf32, #tpu.memory_space<vmem>>, vector<1x16xf32>,
        %swap3A_883 = vector.shape_cast %swap3A_882 : vector<1x16xf32> to vector<16xf32>
        %swap3A_884 = vector.shape_cast %get3A_879 : vector<16xf32> to vector<1x16xf32>
        tpu.vector_store %arg12[%swap3A_880, %swap3A_881], %swap3A_884 {add = true, strides = array<i32>} : memref<100x64xf32, #tpu.memory_space<vmem>>, vector<1x16xf32>,
        %add3A_885 = arith.addi %mul3A_483, %add3A_854 : i32
        %get3A_886 = arith.index_cast %add3A_885 : i32 to index
        %get3A_887 = arith.constant 48 : index
        %get3A_888 = tpu.vector_load %arg7[%get3A_886, %get3A_887] {strides = array<i32>} : memref<200x64xf32, #tpu.memory_space<vmem>>, vector<1x16xf32>,
        %get3A_889 = vector.shape_cast %get3A_888 : vector<1x16xf32> to vector<16xf32>
        %swap3A_890 = arith.index_cast %add3A_854 : i32 to index
        %swap3A_891 = arith.constant 48 : index
        %swap3A_892 = tpu.vector_load %arg12[%swap3A_890, %swap3A_891] {strides = array<i32>} : memref<100x64xf32, #tpu.memory_space<vmem>>, vector<1x16xf32>,
        %swap3A_893 = vector.shape_cast %swap3A_892 : vector<1x16xf32> to vector<16xf32>
        %swap3A_894 = vector.shape_cast %get3A_889 : vector<16xf32> to vector<1x16xf32>
        tpu.vector_store %arg12[%swap3A_890, %swap3A_891], %swap3A_894 {add = true, strides = array<i32>} : memref<100x64xf32, #tpu.memory_space<vmem>>, vector<1x16xf32>,
      }
      %scan3A_488 = arith.constant 100 : i32
      %add3A_489 = arith.addi %mul3A_2, %add3A_432 : i32
      %jit3A_490 = arith.constant 2 : i32
      %div3A_491 = arith.divsi %add3A_489, %jit3A_490 : i32
      %sign3A_492 = arith.constant 0 : i32
      %sign3A_493 = arith.cmpi sgt, %add3A_489, %sign3A_492 : i32
      %sign3A_494 = arith.extui %sign3A_493 : i1 to i32
      %sign3A_495 = arith.constant 0 : i32
      %sign3A_496 = arith.cmpi slt, %add3A_489, %sign3A_495 : i32
      %sign3A_497 = arith.extui %sign3A_496 : i1 to i32
      %sign3A_498 = arith.subi %sign3A_494, %sign3A_497 : i32
      %sign3A_499 = arith.constant 0 : i32
      %sign3A_500 = arith.cmpi sgt, %jit3A_490, %sign3A_499 : i32
      %sign3A_501 = arith.extui %sign3A_500 : i1 to i32
      %sign3A_502 = arith.constant 0 : i32
      %sign3A_503 = arith.cmpi slt, %jit3A_490, %sign3A_502 : i32
      %sign3A_504 = arith.extui %sign3A_503 : i1 to i32
      %sign3A_505 = arith.subi %sign3A_501, %sign3A_504 : i32
      %ne3A_506 = arith.cmpi ne, %sign3A_498, %sign3A_505 : i32
      %rem3A_507 = arith.remsi %add3A_489, %jit3A_490 : i32
      %ne3A_508 = arith.constant 0 : i32
      %ne3A_509 = arith.cmpi ne, %rem3A_507, %ne3A_508 : i32
      %and3A_510 = arith.andi %ne3A_506, %ne3A_509 : i1
      %sub3A_511 = arith.constant 1 : i32
      %sub3A_512 = arith.subi %div3A_491, %sub3A_511 : i32
      %select_n3A_513 = arith.select %and3A_510, %sub3A_512, %div3A_491 : i32
      %rem3A_514 = arith.constant 2 : i32
      %rem3A_515 = arith.remsi %add3A_489, %rem3A_514 : i32
      %mul3A_516 = arith.constant 100 : i32
      %mul3A_517 = arith.muli %rem3A_515, %mul3A_516 : i32
      %dma_start3A_518 = arith.constant 0 : i32
      %dma_start3A_519 = tpu.memref_slice %arg5[%select_n3A_513, %mul3A_517, %dma_start3A_518] : memref<4096x200x64xf32, #tpu.memory_space<hbm>> -> memref<1x100x64xf32, #tpu.memory_space<hbm>>
      %dma_start3A_520 = tpu.memref_squeeze %dma_start3A_519 : memref<1x100x64xf32, #tpu.memory_space<hbm>> -> memref<100x64xf32, #tpu.memory_space<hbm>>
      %dma_start3A_521 = arith.constant 0 : i32
      %dma_start3A_522 = tpu.memref_slice %arg5[%select_n3A_513, %mul3A_517, %dma_start3A_521] : memref<4096x200x64xf32, #tpu.memory_space<hbm>> -> memref<1x100x64xf32, #tpu.memory_space<hbm>>
      %dma_start3A_523 = tpu.memref_squeeze %dma_start3A_522 : memref<1x100x64xf32, #tpu.memory_space<hbm>> -> memref<100x64xf32, #tpu.memory_space<hbm>>
      tpu.enqueue_dma source(%arg12 : memref<100x64xf32, #tpu.memory_space<vmem>>) target(%dma_start3A_523 : memref<100x64xf32, #tpu.memory_space<hbm>>) target_semaphore(%arg28 : memref<!tpu.dma_semaphore, #tpu.memory_space<semaphore_mem>>)
      %add3A_524 = arith.constant 5 : i32
      %add3A_525 = arith.addi %add3A_173, %add3A_524 : i32
      %sub3A_526 = arith.constant 4 : i32
      %sub3A_527 = arith.subi %add3A_525, %sub3A_526 : i32
      %add3A_528 = arith.addi %mul3A_2, %sub3A_527 : i32
      %jit3A_529 = arith.constant 2 : i32
      %div3A_530 = arith.divsi %add3A_528, %jit3A_529 : i32
      %sign3A_531 = arith.constant 0 : i32
      %sign3A_532 = arith.cmpi sgt, %add3A_528, %sign3A_531 : i32
      %sign3A_533 = arith.extui %sign3A_532 : i1 to i32
      %sign3A_534 = arith.constant 0 : i32
      %sign3A_535 = arith.cmpi slt, %add3A_528, %sign3A_534 : i32
      %sign3A_536 = arith.extui %sign3A_535 : i1 to i32
      %sign3A_537 = arith.subi %sign3A_533, %sign3A_536 : i32
      %sign3A_538 = arith.constant 0 : i32
      %sign3A_539 = arith.cmpi sgt, %jit3A_529, %sign3A_538 : i32
      %sign3A_540 = arith.extui %sign3A_539 : i1 to i32
      %sign3A_541 = arith.constant 0 : i32
      %sign3A_542 = arith.cmpi slt, %jit3A_529, %sign3A_541 : i32
      %sign3A_543 = arith.extui %sign3A_542 : i1 to i32
      %sign3A_544 = arith.subi %sign3A_540, %sign3A_543 : i32
      %ne3A_545 = arith.cmpi ne, %sign3A_537, %sign3A_544 : i32
      %rem3A_546 = arith.remsi %add3A_528, %jit3A_529 : i32
      %ne3A_547 = arith.constant 0 : i32
      %ne3A_548 = arith.cmpi ne, %rem3A_546, %ne3A_547 : i32
      %and3A_549 = arith.andi %ne3A_545, %ne3A_548 : i1
      %sub3A_550 = arith.constant 1 : i32
      %sub3A_551 = arith.subi %div3A_530, %sub3A_550 : i32
      %select_n3A_552 = arith.select %and3A_549, %sub3A_551, %div3A_530 : i32
      %rem3A_553 = arith.constant 2 : i32
      %rem3A_554 = arith.remsi %add3A_528, %rem3A_553 : i32
      %mul3A_555 = arith.constant 100 : i32
      %mul3A_556 = arith.muli %rem3A_554, %mul3A_555 : i32
      %dma_wait3A_557 = arith.constant 0 : i32
      %dma_wait3A_558 = tpu.memref_slice %arg5[%select_n3A_552, %mul3A_556, %dma_wait3A_557] : memref<4096x200x64xf32, #tpu.memory_space<hbm>> -> memref<1x100x64xf32, #tpu.memory_space<hbm>>
      %dma_wait3A_559 = tpu.memref_squeeze %dma_wait3A_558 : memref<1x100x64xf32, #tpu.memory_space<hbm>> -> memref<100x64xf32, #tpu.memory_space<hbm>>
      %dma_wait3A_560 = arith.constant 0 : i32
      %dma_wait3A_561 = tpu.memref_slice %arg5[%select_n3A_552, %mul3A_556, %dma_wait3A_560] : memref<4096x200x64xf32, #tpu.memory_space<hbm>> -> memref<1x100x64xf32, #tpu.memory_space<hbm>>
      %dma_wait3A_562 = tpu.memref_squeeze %dma_wait3A_561 : memref<1x100x64xf32, #tpu.memory_space<hbm>> -> memref<100x64xf32, #tpu.memory_space<hbm>>
      tpu.wait_dma2 semaphore(%arg25 : memref<!tpu.dma_semaphore, #tpu.memory_space<semaphore_mem>>) src(%arg9 : memref<100x64xf32, #tpu.memory_space<vmem>>) dst(%dma_wait3A_562 : memref<100x64xf32, #tpu.memory_space<hbm>>)
      %lt3A_563 = arith.constant 248 : i32
      %lt3A_564 = arith.cmpi slt, %add3A_173, %lt3A_563 : i32
      %convert_element_type3A_565 = arith.extui %lt3A_564 : i1 to i32
      %cond3A_566 = arith.constant 0 : i32
      %cond3A_567 = arith.cmpi ne, %convert_element_type3A_565, %cond3A_566 : i32
      scf.if %cond3A_567 {
        %add3A_806 = arith.constant 4 : i32
        %add3A_807 = arith.addi %add3A_525, %add3A_806 : i32
        %dma_start3A_808 = arith.constant 0 : i32
        %dma_start3A_809 = tpu.memref_slice %arg6[%add3A_807, %dma_start3A_808] : memref<256x100xi32, #tpu.memory_space<vmem>> -> memref<1x100xi32, #tpu.memory_space<vmem>>
        %dma_start3A_810 = tpu.memref_squeeze %dma_start3A_809 : memref<1x100xi32, #tpu.memory_space<vmem>> -> memref<100xi32, #tpu.memory_space<vmem>>
        %dma_start3A_811 = arith.constant 0 : i32
        %dma_start3A_812 = arith.constant 0 : i32
        %dma_start3A_813 = tpu.memref_slice %arg3[%dma_start3A_811, %dma_start3A_812] : memref<100000x64xf32, #tpu.memory_space<hbm>> -> memref<100000x64xf32, #tpu.memory_space<hbm>>
        tpu.enqueue_indirect_dma source(%dma_start3A_813 : memref<100000x64xf32, #tpu.memory_space<hbm>>) target(%arg9 : memref<100x64xf32, #tpu.memory_space<vmem>>) offsets(%dma_start3A_810 : memref<100xi32, #tpu.memory_space<vmem>>) semaphore(%arg17 : memref<!tpu.dma_semaphore, #tpu.memory_space<semaphore_mem>>)
      } else {
      }
      %dma_wait3A_568 = arith.constant 0 : i32
      %dma_wait3A_569 = tpu.memref_slice %arg6[%add3A_525, %dma_wait3A_568] : memref<256x100xi32, #tpu.memory_space<vmem>> -> memref<1x100xi32, #tpu.memory_space<vmem>>
      %dma_wait3A_570 = tpu.memref_squeeze %dma_wait3A_569 : memref<1x100xi32, #tpu.memory_space<vmem>> -> memref<100xi32, #tpu.memory_space<vmem>>
      %dma_wait3A_571 = arith.constant 0 : i32
      %dma_wait3A_572 = arith.constant 0 : i32
      %dma_wait3A_573 = tpu.memref_slice %arg3[%dma_wait3A_571, %dma_wait3A_572] : memref<100000x64xf32, #tpu.memory_space<hbm>> -> memref<100000x64xf32, #tpu.memory_space<hbm>>
      tpu.wait_indirect_dma semaphore(%arg21 : memref<!tpu.dma_semaphore, #tpu.memory_space<semaphore_mem>>) src(%dma_wait3A_573 : memref<100000x64xf32, #tpu.memory_space<hbm>>) dst(%arg13 : memref<100x64xf32, #tpu.memory_space<vmem>>)
      %rem3A_574 = arith.constant 2 : i32
      %rem3A_575 = arith.remsi %add3A_525, %rem3A_574 : i32
      %mul3A_576 = arith.constant 100 : i32
      %mul3A_577 = arith.muli %rem3A_575, %mul3A_576 : i32
      %scan3A_578 = arith.constant 0 : i32
      %scan3A_579 = arith.constant 100 : i32
      %scan3A_580 = arith.addi %scan3A_578, %scan3A_579 : i32
      %scan3A_581 = arith.constant 2 : i32
      scf.for %scan3A_806 = %scan3A_578 to %scan3A_580 step %scan3A_581  : i32 {
        %mul3A_807 = arith.constant 1 : i32
        %mul3A_808 = arith.muli %scan3A_806, %mul3A_807 : i32
        %add3A_809 = arith.constant 0 : i32
        %add3A_810 = arith.addi %add3A_809, %mul3A_808 : i32
        %add3A_811 = arith.addi %mul3A_577, %add3A_810 : i32
        %get3A = arith.index_cast %add3A_811 : i32 to index
        %get3A_812 = arith.constant 0 : index
        %get3A_813 = tpu.vector_load %arg7[%get3A, %get3A_812] {strides = array<i32>} : memref<200x64xf32, #tpu.memory_space<vmem>>, vector<1x16xf32>,
        %get3A_814 = vector.shape_cast %get3A_813 : vector<1x16xf32> to vector<16xf32>
        %swap3A = arith.index_cast %add3A_810 : i32 to index
        %swap3A_815 = arith.constant 0 : index
        %swap3A_816 = tpu.vector_load %arg13[%swap3A, %swap3A_815] {strides = array<i32>} : memref<100x64xf32, #tpu.memory_space<vmem>>, vector<1x16xf32>,
        %swap3A_817 = vector.shape_cast %swap3A_816 : vector<1x16xf32> to vector<16xf32>
        %swap3A_818 = vector.shape_cast %get3A_814 : vector<16xf32> to vector<1x16xf32>
        tpu.vector_store %arg13[%swap3A, %swap3A_815], %swap3A_818 {add = true, strides = array<i32>} : memref<100x64xf32, #tpu.memory_space<vmem>>, vector<1x16xf32>,
        %add3A_819 = arith.addi %mul3A_577, %add3A_810 : i32
        %get3A_820 = arith.index_cast %add3A_819 : i32 to index
        %get3A_821 = arith.constant 16 : index
        %get3A_822 = tpu.vector_load %arg7[%get3A_820, %get3A_821] {strides = array<i32>} : memref<200x64xf32, #tpu.memory_space<vmem>>, vector<1x16xf32>,
        %get3A_823 = vector.shape_cast %get3A_822 : vector<1x16xf32> to vector<16xf32>
        %swap3A_824 = arith.index_cast %add3A_810 : i32 to index
        %swap3A_825 = arith.constant 16 : index
        %swap3A_826 = tpu.vector_load %arg13[%swap3A_824, %swap3A_825] {strides = array<i32>} : memref<100x64xf32, #tpu.memory_space<vmem>>, vector<1x16xf32>,
        %swap3A_827 = vector.shape_cast %swap3A_826 : vector<1x16xf32> to vector<16xf32>
        %swap3A_828 = vector.shape_cast %get3A_823 : vector<16xf32> to vector<1x16xf32>
        tpu.vector_store %arg13[%swap3A_824, %swap3A_825], %swap3A_828 {add = true, strides = array<i32>} : memref<100x64xf32, #tpu.memory_space<vmem>>, vector<1x16xf32>,
        %add3A_829 = arith.addi %mul3A_577, %add3A_810 : i32
        %get3A_830 = arith.index_cast %add3A_829 : i32 to index
        %get3A_831 = arith.constant 32 : index
        %get3A_832 = tpu.vector_load %arg7[%get3A_830, %get3A_831] {strides = array<i32>} : memref<200x64xf32, #tpu.memory_space<vmem>>, vector<1x16xf32>,
        %get3A_833 = vector.shape_cast %get3A_832 : vector<1x16xf32> to vector<16xf32>
        %swap3A_834 = arith.index_cast %add3A_810 : i32 to index
        %swap3A_835 = arith.constant 32 : index
        %swap3A_836 = tpu.vector_load %arg13[%swap3A_834, %swap3A_835] {strides = array<i32>} : memref<100x64xf32, #tpu.memory_space<vmem>>, vector<1x16xf32>,
        %swap3A_837 = vector.shape_cast %swap3A_836 : vector<1x16xf32> to vector<16xf32>
        %swap3A_838 = vector.shape_cast %get3A_833 : vector<16xf32> to vector<1x16xf32>
        tpu.vector_store %arg13[%swap3A_834, %swap3A_835], %swap3A_838 {add = true, strides = array<i32>} : memref<100x64xf32, #tpu.memory_space<vmem>>, vector<1x16xf32>,
        %add3A_839 = arith.addi %mul3A_577, %add3A_810 : i32
        %get3A_840 = arith.index_cast %add3A_839 : i32 to index
        %get3A_841 = arith.constant 48 : index
        %get3A_842 = tpu.vector_load %arg7[%get3A_840, %get3A_841] {strides = array<i32>} : memref<200x64xf32, #tpu.memory_space<vmem>>, vector<1x16xf32>,
        %get3A_843 = vector.shape_cast %get3A_842 : vector<1x16xf32> to vector<16xf32>
        %swap3A_844 = arith.index_cast %add3A_810 : i32 to index
        %swap3A_845 = arith.constant 48 : index
        %swap3A_846 = tpu.vector_load %arg13[%swap3A_844, %swap3A_845] {strides = array<i32>} : memref<100x64xf32, #tpu.memory_space<vmem>>, vector<1x16xf32>,
        %swap3A_847 = vector.shape_cast %swap3A_846 : vector<1x16xf32> to vector<16xf32>
        %swap3A_848 = vector.shape_cast %get3A_843 : vector<16xf32> to vector<1x16xf32>
        tpu.vector_store %arg13[%swap3A_844, %swap3A_845], %swap3A_848 {add = true, strides = array<i32>} : memref<100x64xf32, #tpu.memory_space<vmem>>, vector<1x16xf32>,
        %scan3A_849 = arith.constant 1 : i32
        %scan3A_850 = arith.addi %scan3A_806, %scan3A_849 : i32
        %mul3A_851 = arith.constant 1 : i32
        %mul3A_852 = arith.muli %scan3A_850, %mul3A_851 : i32
        %add3A_853 = arith.constant 0 : i32
        %add3A_854 = arith.addi %add3A_853, %mul3A_852 : i32
        %add3A_855 = arith.addi %mul3A_577, %add3A_854 : i32
        %get3A_856 = arith.index_cast %add3A_855 : i32 to index
        %get3A_857 = arith.constant 0 : index
        %get3A_858 = tpu.vector_load %arg7[%get3A_856, %get3A_857] {strides = array<i32>} : memref<200x64xf32, #tpu.memory_space<vmem>>, vector<1x16xf32>,
        %get3A_859 = vector.shape_cast %get3A_858 : vector<1x16xf32> to vector<16xf32>
        %swap3A_860 = arith.index_cast %add3A_854 : i32 to index
        %swap3A_861 = arith.constant 0 : index
        %swap3A_862 = tpu.vector_load %arg13[%swap3A_860, %swap3A_861] {strides = array<i32>} : memref<100x64xf32, #tpu.memory_space<vmem>>, vector<1x16xf32>,
        %swap3A_863 = vector.shape_cast %swap3A_862 : vector<1x16xf32> to vector<16xf32>
        %swap3A_864 = vector.shape_cast %get3A_859 : vector<16xf32> to vector<1x16xf32>
        tpu.vector_store %arg13[%swap3A_860, %swap3A_861], %swap3A_864 {add = true, strides = array<i32>} : memref<100x64xf32, #tpu.memory_space<vmem>>, vector<1x16xf32>,
        %add3A_865 = arith.addi %mul3A_577, %add3A_854 : i32
        %get3A_866 = arith.index_cast %add3A_865 : i32 to index
        %get3A_867 = arith.constant 16 : index
        %get3A_868 = tpu.vector_load %arg7[%get3A_866, %get3A_867] {strides = array<i32>} : memref<200x64xf32, #tpu.memory_space<vmem>>, vector<1x16xf32>,
        %get3A_869 = vector.shape_cast %get3A_868 : vector<1x16xf32> to vector<16xf32>
        %swap3A_870 = arith.index_cast %add3A_854 : i32 to index
        %swap3A_871 = arith.constant 16 : index
        %swap3A_872 = tpu.vector_load %arg13[%swap3A_870, %swap3A_871] {strides = array<i32>} : memref<100x64xf32, #tpu.memory_space<vmem>>, vector<1x16xf32>,
        %swap3A_873 = vector.shape_cast %swap3A_872 : vector<1x16xf32> to vector<16xf32>
        %swap3A_874 = vector.shape_cast %get3A_869 : vector<16xf32> to vector<1x16xf32>
        tpu.vector_store %arg13[%swap3A_870, %swap3A_871], %swap3A_874 {add = true, strides = array<i32>} : memref<100x64xf32, #tpu.memory_space<vmem>>, vector<1x16xf32>,
        %add3A_875 = arith.addi %mul3A_577, %add3A_854 : i32
        %get3A_876 = arith.index_cast %add3A_875 : i32 to index
        %get3A_877 = arith.constant 32 : index
        %get3A_878 = tpu.vector_load %arg7[%get3A_876, %get3A_877] {strides = array<i32>} : memref<200x64xf32, #tpu.memory_space<vmem>>, vector<1x16xf32>,
        %get3A_879 = vector.shape_cast %get3A_878 : vector<1x16xf32> to vector<16xf32>
        %swap3A_880 = arith.index_cast %add3A_854 : i32 to index
        %swap3A_881 = arith.constant 32 : index
        %swap3A_882 = tpu.vector_load %arg13[%swap3A_880, %swap3A_881] {strides = array<i32>} : memref<100x64xf32, #tpu.memory_space<vmem>>, vector<1x16xf32>,
        %swap3A_883 = vector.shape_cast %swap3A_882 : vector<1x16xf32> to vector<16xf32>
        %swap3A_884 = vector.shape_cast %get3A_879 : vector<16xf32> to vector<1x16xf32>
        tpu.vector_store %arg13[%swap3A_880, %swap3A_881], %swap3A_884 {add = true, strides = array<i32>} : memref<100x64xf32, #tpu.memory_space<vmem>>, vector<1x16xf32>,
        %add3A_885 = arith.addi %mul3A_577, %add3A_854 : i32
        %get3A_886 = arith.index_cast %add3A_885 : i32 to index
        %get3A_887 = arith.constant 48 : index
        %get3A_888 = tpu.vector_load %arg7[%get3A_886, %get3A_887] {strides = array<i32>} : memref<200x64xf32, #tpu.memory_space<vmem>>, vector<1x16xf32>,
        %get3A_889 = vector.shape_cast %get3A_888 : vector<1x16xf32> to vector<16xf32>
        %swap3A_890 = arith.index_cast %add3A_854 : i32 to index
        %swap3A_891 = arith.constant 48 : index
        %swap3A_892 = tpu.vector_load %arg13[%swap3A_890, %swap3A_891] {strides = array<i32>} : memref<100x64xf32, #tpu.memory_space<vmem>>, vector<1x16xf32>,
        %swap3A_893 = vector.shape_cast %swap3A_892 : vector<1x16xf32> to vector<16xf32>
        %swap3A_894 = vector.shape_cast %get3A_889 : vector<16xf32> to vector<1x16xf32>
        tpu.vector_store %arg13[%swap3A_890, %swap3A_891], %swap3A_894 {add = true, strides = array<i32>} : memref<100x64xf32, #tpu.memory_space<vmem>>, vector<1x16xf32>,
      }
      %scan3A_582 = arith.constant 100 : i32
      %add3A_583 = arith.addi %mul3A_2, %add3A_525 : i32
      %jit3A_584 = arith.constant 2 : i32
      %div3A_585 = arith.divsi %add3A_583, %jit3A_584 : i32
      %sign3A_586 = arith.constant 0 : i32
      %sign3A_587 = arith.cmpi sgt, %add3A_583, %sign3A_586 : i32
      %sign3A_588 = arith.extui %sign3A_587 : i1 to i32
      %sign3A_589 = arith.constant 0 : i32
      %sign3A_590 = arith.cmpi slt, %add3A_583, %sign3A_589 : i32
      %sign3A_591 = arith.extui %sign3A_590 : i1 to i32
      %sign3A_592 = arith.subi %sign3A_588, %sign3A_591 : i32
      %sign3A_593 = arith.constant 0 : i32
      %sign3A_594 = arith.cmpi sgt, %jit3A_584, %sign3A_593 : i32
      %sign3A_595 = arith.extui %sign3A_594 : i1 to i32
      %sign3A_596 = arith.constant 0 : i32
      %sign3A_597 = arith.cmpi slt, %jit3A_584, %sign3A_596 : i32
      %sign3A_598 = arith.extui %sign3A_597 : i1 to i32
      %sign3A_599 = arith.subi %sign3A_595, %sign3A_598 : i32
      %ne3A_600 = arith.cmpi ne, %sign3A_592, %sign3A_599 : i32
      %rem3A_601 = arith.remsi %add3A_583, %jit3A_584 : i32
      %ne3A_602 = arith.constant 0 : i32
      %ne3A_603 = arith.cmpi ne, %rem3A_601, %ne3A_602 : i32
      %and3A_604 = arith.andi %ne3A_600, %ne3A_603 : i1
      %sub3A_605 = arith.constant 1 : i32
      %sub3A_606 = arith.subi %div3A_585, %sub3A_605 : i32
      %select_n3A_607 = arith.select %and3A_604, %sub3A_606, %div3A_585 : i32
      %rem3A_608 = arith.constant 2 : i32
      %rem3A_609 = arith.remsi %add3A_583, %rem3A_608 : i32
      %mul3A_610 = arith.constant 100 : i32
      %mul3A_611 = arith.muli %rem3A_609, %mul3A_610 : i32
      %dma_start3A_612 = arith.constant 0 : i32
      %dma_start3A_613 = tpu.memref_slice %arg5[%select_n3A_607, %mul3A_611, %dma_start3A_612] : memref<4096x200x64xf32, #tpu.memory_space<hbm>> -> memref<1x100x64xf32, #tpu.memory_space<hbm>>
      %dma_start3A_614 = tpu.memref_squeeze %dma_start3A_613 : memref<1x100x64xf32, #tpu.memory_space<hbm>> -> memref<100x64xf32, #tpu.memory_space<hbm>>
      %dma_start3A_615 = arith.constant 0 : i32
      %dma_start3A_616 = tpu.memref_slice %arg5[%select_n3A_607, %mul3A_611, %dma_start3A_615] : memref<4096x200x64xf32, #tpu.memory_space<hbm>> -> memref<1x100x64xf32, #tpu.memory_space<hbm>>
      %dma_start3A_617 = tpu.memref_squeeze %dma_start3A_616 : memref<1x100x64xf32, #tpu.memory_space<hbm>> -> memref<100x64xf32, #tpu.memory_space<hbm>>
      tpu.enqueue_dma source(%arg13 : memref<100x64xf32, #tpu.memory_space<vmem>>) target(%dma_start3A_617 : memref<100x64xf32, #tpu.memory_space<hbm>>) target_semaphore(%arg29 : memref<!tpu.dma_semaphore, #tpu.memory_space<semaphore_mem>>)
      %add3A_618 = arith.constant 6 : i32
      %add3A_619 = arith.addi %add3A_173, %add3A_618 : i32
      %sub3A_620 = arith.constant 4 : i32
      %sub3A_621 = arith.subi %add3A_619, %sub3A_620 : i32
      %add3A_622 = arith.addi %mul3A_2, %sub3A_621 : i32
      %jit3A_623 = arith.constant 2 : i32
      %div3A_624 = arith.divsi %add3A_622, %jit3A_623 : i32
      %sign3A_625 = arith.constant 0 : i32
      %sign3A_626 = arith.cmpi sgt, %add3A_622, %sign3A_625 : i32
      %sign3A_627 = arith.extui %sign3A_626 : i1 to i32
      %sign3A_628 = arith.constant 0 : i32
      %sign3A_629 = arith.cmpi slt, %add3A_622, %sign3A_628 : i32
      %sign3A_630 = arith.extui %sign3A_629 : i1 to i32
      %sign3A_631 = arith.subi %sign3A_627, %sign3A_630 : i32
      %sign3A_632 = arith.constant 0 : i32
      %sign3A_633 = arith.cmpi sgt, %jit3A_623, %sign3A_632 : i32
      %sign3A_634 = arith.extui %sign3A_633 : i1 to i32
      %sign3A_635 = arith.constant 0 : i32
      %sign3A_636 = arith.cmpi slt, %jit3A_623, %sign3A_635 : i32
      %sign3A_637 = arith.extui %sign3A_636 : i1 to i32
      %sign3A_638 = arith.subi %sign3A_634, %sign3A_637 : i32
      %ne3A_639 = arith.cmpi ne, %sign3A_631, %sign3A_638 : i32
      %rem3A_640 = arith.remsi %add3A_622, %jit3A_623 : i32
      %ne3A_641 = arith.constant 0 : i32
      %ne3A_642 = arith.cmpi ne, %rem3A_640, %ne3A_641 : i32
      %and3A_643 = arith.andi %ne3A_639, %ne3A_642 : i1
      %sub3A_644 = arith.constant 1 : i32
      %sub3A_645 = arith.subi %div3A_624, %sub3A_644 : i32
      %select_n3A_646 = arith.select %and3A_643, %sub3A_645, %div3A_624 : i32
      %rem3A_647 = arith.constant 2 : i32
      %rem3A_648 = arith.remsi %add3A_622, %rem3A_647 : i32
      %mul3A_649 = arith.constant 100 : i32
      %mul3A_650 = arith.muli %rem3A_648, %mul3A_649 : i32
      %dma_wait3A_651 = arith.constant 0 : i32
      %dma_wait3A_652 = tpu.memref_slice %arg5[%select_n3A_646, %mul3A_650, %dma_wait3A_651] : memref<4096x200x64xf32, #tpu.memory_space<hbm>> -> memref<1x100x64xf32, #tpu.memory_space<hbm>>
      %dma_wait3A_653 = tpu.memref_squeeze %dma_wait3A_652 : memref<1x100x64xf32, #tpu.memory_space<hbm>> -> memref<100x64xf32, #tpu.memory_space<hbm>>
      %dma_wait3A_654 = arith.constant 0 : i32
      %dma_wait3A_655 = tpu.memref_slice %arg5[%select_n3A_646, %mul3A_650, %dma_wait3A_654] : memref<4096x200x64xf32, #tpu.memory_space<hbm>> -> memref<1x100x64xf32, #tpu.memory_space<hbm>>
      %dma_wait3A_656 = tpu.memref_squeeze %dma_wait3A_655 : memref<1x100x64xf32, #tpu.memory_space<hbm>> -> memref<100x64xf32, #tpu.memory_space<hbm>>
      tpu.wait_dma2 semaphore(%arg26 : memref<!tpu.dma_semaphore, #tpu.memory_space<semaphore_mem>>) src(%arg10 : memref<100x64xf32, #tpu.memory_space<vmem>>) dst(%dma_wait3A_656 : memref<100x64xf32, #tpu.memory_space<hbm>>)
      %lt3A_657 = arith.constant 248 : i32
      %lt3A_658 = arith.cmpi slt, %add3A_173, %lt3A_657 : i32
      %convert_element_type3A_659 = arith.extui %lt3A_658 : i1 to i32
      %cond3A_660 = arith.constant 0 : i32
      %cond3A_661 = arith.cmpi ne, %convert_element_type3A_659, %cond3A_660 : i32
      scf.if %cond3A_661 {
        %add3A_806 = arith.constant 4 : i32
        %add3A_807 = arith.addi %add3A_619, %add3A_806 : i32
        %dma_start3A_808 = arith.constant 0 : i32
        %dma_start3A_809 = tpu.memref_slice %arg6[%add3A_807, %dma_start3A_808] : memref<256x100xi32, #tpu.memory_space<vmem>> -> memref<1x100xi32, #tpu.memory_space<vmem>>
        %dma_start3A_810 = tpu.memref_squeeze %dma_start3A_809 : memref<1x100xi32, #tpu.memory_space<vmem>> -> memref<100xi32, #tpu.memory_space<vmem>>
        %dma_start3A_811 = arith.constant 0 : i32
        %dma_start3A_812 = arith.constant 0 : i32
        %dma_start3A_813 = tpu.memref_slice %arg3[%dma_start3A_811, %dma_start3A_812] : memref<100000x64xf32, #tpu.memory_space<hbm>> -> memref<100000x64xf32, #tpu.memory_space<hbm>>
        tpu.enqueue_indirect_dma source(%dma_start3A_813 : memref<100000x64xf32, #tpu.memory_space<hbm>>) target(%arg10 : memref<100x64xf32, #tpu.memory_space<vmem>>) offsets(%dma_start3A_810 : memref<100xi32, #tpu.memory_space<vmem>>) semaphore(%arg18 : memref<!tpu.dma_semaphore, #tpu.memory_space<semaphore_mem>>)
      } else {
      }
      %dma_wait3A_662 = arith.constant 0 : i32
      %dma_wait3A_663 = tpu.memref_slice %arg6[%add3A_619, %dma_wait3A_662] : memref<256x100xi32, #tpu.memory_space<vmem>> -> memref<1x100xi32, #tpu.memory_space<vmem>>
      %dma_wait3A_664 = tpu.memref_squeeze %dma_wait3A_663 : memref<1x100xi32, #tpu.memory_space<vmem>> -> memref<100xi32, #tpu.memory_space<vmem>>
      %dma_wait3A_665 = arith.constant 0 : i32
      %dma_wait3A_666 = arith.constant 0 : i32
      %dma_wait3A_667 = tpu.memref_slice %arg3[%dma_wait3A_665, %dma_wait3A_666] : memref<100000x64xf32, #tpu.memory_space<hbm>> -> memref<100000x64xf32, #tpu.memory_space<hbm>>
      tpu.wait_indirect_dma semaphore(%arg22 : memref<!tpu.dma_semaphore, #tpu.memory_space<semaphore_mem>>) src(%dma_wait3A_667 : memref<100000x64xf32, #tpu.memory_space<hbm>>) dst(%arg14 : memref<100x64xf32, #tpu.memory_space<vmem>>)
      %rem3A_668 = arith.constant 2 : i32
      %rem3A_669 = arith.remsi %add3A_619, %rem3A_668 : i32
      %mul3A_670 = arith.constant 100 : i32
      %mul3A_671 = arith.muli %rem3A_669, %mul3A_670 : i32
      %scan3A_672 = arith.constant 0 : i32
      %scan3A_673 = arith.constant 100 : i32
      %scan3A_674 = arith.addi %scan3A_672, %scan3A_673 : i32
      %scan3A_675 = arith.constant 2 : i32
      scf.for %scan3A_806 = %scan3A_672 to %scan3A_674 step %scan3A_675  : i32 {
        %mul3A_807 = arith.constant 1 : i32
        %mul3A_808 = arith.muli %scan3A_806, %mul3A_807 : i32
        %add3A_809 = arith.constant 0 : i32
        %add3A_810 = arith.addi %add3A_809, %mul3A_808 : i32
        %add3A_811 = arith.addi %mul3A_671, %add3A_810 : i32
        %get3A = arith.index_cast %add3A_811 : i32 to index
        %get3A_812 = arith.constant 0 : index
        %get3A_813 = tpu.vector_load %arg7[%get3A, %get3A_812] {strides = array<i32>} : memref<200x64xf32, #tpu.memory_space<vmem>>, vector<1x16xf32>,
        %get3A_814 = vector.shape_cast %get3A_813 : vector<1x16xf32> to vector<16xf32>
        %swap3A = arith.index_cast %add3A_810 : i32 to index
        %swap3A_815 = arith.constant 0 : index
        %swap3A_816 = tpu.vector_load %arg14[%swap3A, %swap3A_815] {strides = array<i32>} : memref<100x64xf32, #tpu.memory_space<vmem>>, vector<1x16xf32>,
        %swap3A_817 = vector.shape_cast %swap3A_816 : vector<1x16xf32> to vector<16xf32>
        %swap3A_818 = vector.shape_cast %get3A_814 : vector<16xf32> to vector<1x16xf32>
        tpu.vector_store %arg14[%swap3A, %swap3A_815], %swap3A_818 {add = true, strides = array<i32>} : memref<100x64xf32, #tpu.memory_space<vmem>>, vector<1x16xf32>,
        %add3A_819 = arith.addi %mul3A_671, %add3A_810 : i32
        %get3A_820 = arith.index_cast %add3A_819 : i32 to index
        %get3A_821 = arith.constant 16 : index
        %get3A_822 = tpu.vector_load %arg7[%get3A_820, %get3A_821] {strides = array<i32>} : memref<200x64xf32, #tpu.memory_space<vmem>>, vector<1x16xf32>,
        %get3A_823 = vector.shape_cast %get3A_822 : vector<1x16xf32> to vector<16xf32>
        %swap3A_824 = arith.index_cast %add3A_810 : i32 to index
        %swap3A_825 = arith.constant 16 : index
        %swap3A_826 = tpu.vector_load %arg14[%swap3A_824, %swap3A_825] {strides = array<i32>} : memref<100x64xf32, #tpu.memory_space<vmem>>, vector<1x16xf32>,
        %swap3A_827 = vector.shape_cast %swap3A_826 : vector<1x16xf32> to vector<16xf32>
        %swap3A_828 = vector.shape_cast %get3A_823 : vector<16xf32> to vector<1x16xf32>
        tpu.vector_store %arg14[%swap3A_824, %swap3A_825], %swap3A_828 {add = true, strides = array<i32>} : memref<100x64xf32, #tpu.memory_space<vmem>>, vector<1x16xf32>,
        %add3A_829 = arith.addi %mul3A_671, %add3A_810 : i32
        %get3A_830 = arith.index_cast %add3A_829 : i32 to index
        %get3A_831 = arith.constant 32 : index
        %get3A_832 = tpu.vector_load %arg7[%get3A_830, %get3A_831] {strides = array<i32>} : memref<200x64xf32, #tpu.memory_space<vmem>>, vector<1x16xf32>,
        %get3A_833 = vector.shape_cast %get3A_832 : vector<1x16xf32> to vector<16xf32>
        %swap3A_834 = arith.index_cast %add3A_810 : i32 to index
        %swap3A_835 = arith.constant 32 : index
        %swap3A_836 = tpu.vector_load %arg14[%swap3A_834, %swap3A_835] {strides = array<i32>} : memref<100x64xf32, #tpu.memory_space<vmem>>, vector<1x16xf32>,
        %swap3A_837 = vector.shape_cast %swap3A_836 : vector<1x16xf32> to vector<16xf32>
        %swap3A_838 = vector.shape_cast %get3A_833 : vector<16xf32> to vector<1x16xf32>
        tpu.vector_store %arg14[%swap3A_834, %swap3A_835], %swap3A_838 {add = true, strides = array<i32>} : memref<100x64xf32, #tpu.memory_space<vmem>>, vector<1x16xf32>,
        %add3A_839 = arith.addi %mul3A_671, %add3A_810 : i32
        %get3A_840 = arith.index_cast %add3A_839 : i32 to index
        %get3A_841 = arith.constant 48 : index
        %get3A_842 = tpu.vector_load %arg7[%get3A_840, %get3A_841] {strides = array<i32>} : memref<200x64xf32, #tpu.memory_space<vmem>>, vector<1x16xf32>,
        %get3A_843 = vector.shape_cast %get3A_842 : vector<1x16xf32> to vector<16xf32>
        %swap3A_844 = arith.index_cast %add3A_810 : i32 to index
        %swap3A_845 = arith.constant 48 : index
        %swap3A_846 = tpu.vector_load %arg14[%swap3A_844, %swap3A_845] {strides = array<i32>} : memref<100x64xf32, #tpu.memory_space<vmem>>, vector<1x16xf32>,
        %swap3A_847 = vector.shape_cast %swap3A_846 : vector<1x16xf32> to vector<16xf32>
        %swap3A_848 = vector.shape_cast %get3A_843 : vector<16xf32> to vector<1x16xf32>
        tpu.vector_store %arg14[%swap3A_844, %swap3A_845], %swap3A_848 {add = true, strides = array<i32>} : memref<100x64xf32, #tpu.memory_space<vmem>>, vector<1x16xf32>,
        %scan3A_849 = arith.constant 1 : i32
        %scan3A_850 = arith.addi %scan3A_806, %scan3A_849 : i32
        %mul3A_851 = arith.constant 1 : i32
        %mul3A_852 = arith.muli %scan3A_850, %mul3A_851 : i32
        %add3A_853 = arith.constant 0 : i32
        %add3A_854 = arith.addi %add3A_853, %mul3A_852 : i32
        %add3A_855 = arith.addi %mul3A_671, %add3A_854 : i32
        %get3A_856 = arith.index_cast %add3A_855 : i32 to index
        %get3A_857 = arith.constant 0 : index
        %get3A_858 = tpu.vector_load %arg7[%get3A_856, %get3A_857] {strides = array<i32>} : memref<200x64xf32, #tpu.memory_space<vmem>>, vector<1x16xf32>,
        %get3A_859 = vector.shape_cast %get3A_858 : vector<1x16xf32> to vector<16xf32>
        %swap3A_860 = arith.index_cast %add3A_854 : i32 to index
        %swap3A_861 = arith.constant 0 : index
        %swap3A_862 = tpu.vector_load %arg14[%swap3A_860, %swap3A_861] {strides = array<i32>} : memref<100x64xf32, #tpu.memory_space<vmem>>, vector<1x16xf32>,
        %swap3A_863 = vector.shape_cast %swap3A_862 : vector<1x16xf32> to vector<16xf32>
        %swap3A_864 = vector.shape_cast %get3A_859 : vector<16xf32> to vector<1x16xf32>
        tpu.vector_store %arg14[%swap3A_860, %swap3A_861], %swap3A_864 {add = true, strides = array<i32>} : memref<100x64xf32, #tpu.memory_space<vmem>>, vector<1x16xf32>,
        %add3A_865 = arith.addi %mul3A_671, %add3A_854 : i32
        %get3A_866 = arith.index_cast %add3A_865 : i32 to index
        %get3A_867 = arith.constant 16 : index
        %get3A_868 = tpu.vector_load %arg7[%get3A_866, %get3A_867] {strides = array<i32>} : memref<200x64xf32, #tpu.memory_space<vmem>>, vector<1x16xf32>,
        %get3A_869 = vector.shape_cast %get3A_868 : vector<1x16xf32> to vector<16xf32>
        %swap3A_870 = arith.index_cast %add3A_854 : i32 to index
        %swap3A_871 = arith.constant 16 : index
        %swap3A_872 = tpu.vector_load %arg14[%swap3A_870, %swap3A_871] {strides = array<i32>} : memref<100x64xf32, #tpu.memory_space<vmem>>, vector<1x16xf32>,
        %swap3A_873 = vector.shape_cast %swap3A_872 : vector<1x16xf32> to vector<16xf32>
        %swap3A_874 = vector.shape_cast %get3A_869 : vector<16xf32> to vector<1x16xf32>
        tpu.vector_store %arg14[%swap3A_870, %swap3A_871], %swap3A_874 {add = true, strides = array<i32>} : memref<100x64xf32, #tpu.memory_space<vmem>>, vector<1x16xf32>,
        %add3A_875 = arith.addi %mul3A_671, %add3A_854 : i32
        %get3A_876 = arith.index_cast %add3A_875 : i32 to index
        %get3A_877 = arith.constant 32 : index
        %get3A_878 = tpu.vector_load %arg7[%get3A_876, %get3A_877] {strides = array<i32>} : memref<200x64xf32, #tpu.memory_space<vmem>>, vector<1x16xf32>,
        %get3A_879 = vector.shape_cast %get3A_878 : vector<1x16xf32> to vector<16xf32>
        %swap3A_880 = arith.index_cast %add3A_854 : i32 to index
        %swap3A_881 = arith.constant 32 : index
        %swap3A_882 = tpu.vector_load %arg14[%swap3A_880, %swap3A_881] {strides = array<i32>} : memref<100x64xf32, #tpu.memory_space<vmem>>, vector<1x16xf32>,
        %swap3A_883 = vector.shape_cast %swap3A_882 : vector<1x16xf32> to vector<16xf32>
        %swap3A_884 = vector.shape_cast %get3A_879 : vector<16xf32> to vector<1x16xf32>
        tpu.vector_store %arg14[%swap3A_880, %swap3A_881], %swap3A_884 {add = true, strides = array<i32>} : memref<100x64xf32, #tpu.memory_space<vmem>>, vector<1x16xf32>,
        %add3A_885 = arith.addi %mul3A_671, %add3A_854 : i32
        %get3A_886 = arith.index_cast %add3A_885 : i32 to index
        %get3A_887 = arith.constant 48 : index
        %get3A_888 = tpu.vector_load %arg7[%get3A_886, %get3A_887] {strides = array<i32>} : memref<200x64xf32, #tpu.memory_space<vmem>>, vector<1x16xf32>,
        %get3A_889 = vector.shape_cast %get3A_888 : vector<1x16xf32> to vector<16xf32>
        %swap3A_890 = arith.index_cast %add3A_854 : i32 to index
        %swap3A_891 = arith.constant 48 : index
        %swap3A_892 = tpu.vector_load %arg14[%swap3A_890, %swap3A_891] {strides = array<i32>} : memref<100x64xf32, #tpu.memory_space<vmem>>, vector<1x16xf32>,
        %swap3A_893 = vector.shape_cast %swap3A_892 : vector<1x16xf32> to vector<16xf32>
        %swap3A_894 = vector.shape_cast %get3A_889 : vector<16xf32> to vector<1x16xf32>
        tpu.vector_store %arg14[%swap3A_890, %swap3A_891], %swap3A_894 {add = true, strides = array<i32>} : memref<100x64xf32, #tpu.memory_space<vmem>>, vector<1x16xf32>,
      }
      %scan3A_676 = arith.constant 100 : i32
      %add3A_677 = arith.addi %mul3A_2, %add3A_619 : i32
      %jit3A_678 = arith.constant 2 : i32
      %div3A_679 = arith.divsi %add3A_677, %jit3A_678 : i32
      %sign3A_680 = arith.constant 0 : i32
      %sign3A_681 = arith.cmpi sgt, %add3A_677, %sign3A_680 : i32
      %sign3A_682 = arith.extui %sign3A_681 : i1 to i32
      %sign3A_683 = arith.constant 0 : i32
      %sign3A_684 = arith.cmpi slt, %add3A_677, %sign3A_683 : i32
      %sign3A_685 = arith.extui %sign3A_684 : i1 to i32
      %sign3A_686 = arith.subi %sign3A_682, %sign3A_685 : i32
      %sign3A_687 = arith.constant 0 : i32
      %sign3A_688 = arith.cmpi sgt, %jit3A_678, %sign3A_687 : i32
      %sign3A_689 = arith.extui %sign3A_688 : i1 to i32
      %sign3A_690 = arith.constant 0 : i32
      %sign3A_691 = arith.cmpi slt, %jit3A_678, %sign3A_690 : i32
      %sign3A_692 = arith.extui %sign3A_691 : i1 to i32
      %sign3A_693 = arith.subi %sign3A_689, %sign3A_692 : i32
      %ne3A_694 = arith.cmpi ne, %sign3A_686, %sign3A_693 : i32
      %rem3A_695 = arith.remsi %add3A_677, %jit3A_678 : i32
      %ne3A_696 = arith.constant 0 : i32
      %ne3A_697 = arith.cmpi ne, %rem3A_695, %ne3A_696 : i32
      %and3A_698 = arith.andi %ne3A_694, %ne3A_697 : i1
      %sub3A_699 = arith.constant 1 : i32
      %sub3A_700 = arith.subi %div3A_679, %sub3A_699 : i32
      %select_n3A_701 = arith.select %and3A_698, %sub3A_700, %div3A_679 : i32
      %rem3A_702 = arith.constant 2 : i32
      %rem3A_703 = arith.remsi %add3A_677, %rem3A_702 : i32
      %mul3A_704 = arith.constant 100 : i32
      %mul3A_705 = arith.muli %rem3A_703, %mul3A_704 : i32
      %dma_start3A_706 = arith.constant 0 : i32
      %dma_start3A_707 = tpu.memref_slice %arg5[%select_n3A_701, %mul3A_705, %dma_start3A_706] : memref<4096x200x64xf32, #tpu.memory_space<hbm>> -> memref<1x100x64xf32, #tpu.memory_space<hbm>>
      %dma_start3A_708 = tpu.memref_squeeze %dma_start3A_707 : memref<1x100x64xf32, #tpu.memory_space<hbm>> -> memref<100x64xf32, #tpu.memory_space<hbm>>
      %dma_start3A_709 = arith.constant 0 : i32
      %dma_start3A_710 = tpu.memref_slice %arg5[%select_n3A_701, %mul3A_705, %dma_start3A_709] : memref<4096x200x64xf32, #tpu.memory_space<hbm>> -> memref<1x100x64xf32, #tpu.memory_space<hbm>>
      %dma_start3A_711 = tpu.memref_squeeze %dma_start3A_710 : memref<1x100x64xf32, #tpu.memory_space<hbm>> -> memref<100x64xf32, #tpu.memory_space<hbm>>
      tpu.enqueue_dma source(%arg14 : memref<100x64xf32, #tpu.memory_space<vmem>>) target(%dma_start3A_711 : memref<100x64xf32, #tpu.memory_space<hbm>>) target_semaphore(%arg30 : memref<!tpu.dma_semaphore, #tpu.memory_space<semaphore_mem>>)
      %add3A_712 = arith.constant 7 : i32
      %add3A_713 = arith.addi %add3A_173, %add3A_712 : i32
      %sub3A_714 = arith.constant 4 : i32
      %sub3A_715 = arith.subi %add3A_713, %sub3A_714 : i32
      %add3A_716 = arith.addi %mul3A_2, %sub3A_715 : i32
      %jit3A_717 = arith.constant 2 : i32
      %div3A_718 = arith.divsi %add3A_716, %jit3A_717 : i32
      %sign3A_719 = arith.constant 0 : i32
      %sign3A_720 = arith.cmpi sgt, %add3A_716, %sign3A_719 : i32
      %sign3A_721 = arith.extui %sign3A_720 : i1 to i32
      %sign3A_722 = arith.constant 0 : i32
      %sign3A_723 = arith.cmpi slt, %add3A_716, %sign3A_722 : i32
      %sign3A_724 = arith.extui %sign3A_723 : i1 to i32
      %sign3A_725 = arith.subi %sign3A_721, %sign3A_724 : i32
      %sign3A_726 = arith.constant 0 : i32
      %sign3A_727 = arith.cmpi sgt, %jit3A_717, %sign3A_726 : i32
      %sign3A_728 = arith.extui %sign3A_727 : i1 to i32
      %sign3A_729 = arith.constant 0 : i32
      %sign3A_730 = arith.cmpi slt, %jit3A_717, %sign3A_729 : i32
      %sign3A_731 = arith.extui %sign3A_730 : i1 to i32
      %sign3A_732 = arith.subi %sign3A_728, %sign3A_731 : i32
      %ne3A_733 = arith.cmpi ne, %sign3A_725, %sign3A_732 : i32
      %rem3A_734 = arith.remsi %add3A_716, %jit3A_717 : i32
      %ne3A_735 = arith.constant 0 : i32
      %ne3A_736 = arith.cmpi ne, %rem3A_734, %ne3A_735 : i32
      %and3A_737 = arith.andi %ne3A_733, %ne3A_736 : i1
      %sub3A_738 = arith.constant 1 : i32
      %sub3A_739 = arith.subi %div3A_718, %sub3A_738 : i32
      %select_n3A_740 = arith.select %and3A_737, %sub3A_739, %div3A_718 : i32
      %rem3A_741 = arith.constant 2 : i32
      %rem3A_742 = arith.remsi %add3A_716, %rem3A_741 : i32
      %mul3A_743 = arith.constant 100 : i32
      %mul3A_744 = arith.muli %rem3A_742, %mul3A_743 : i32
      %dma_wait3A_745 = arith.constant 0 : i32
      %dma_wait3A_746 = tpu.memref_slice %arg5[%select_n3A_740, %mul3A_744, %dma_wait3A_745] : memref<4096x200x64xf32, #tpu.memory_space<hbm>> -> memref<1x100x64xf32, #tpu.memory_space<hbm>>
      %dma_wait3A_747 = tpu.memref_squeeze %dma_wait3A_746 : memref<1x100x64xf32, #tpu.memory_space<hbm>> -> memref<100x64xf32, #tpu.memory_space<hbm>>
      %dma_wait3A_748 = arith.constant 0 : i32
      %dma_wait3A_749 = tpu.memref_slice %arg5[%select_n3A_740, %mul3A_744, %dma_wait3A_748] : memref<4096x200x64xf32, #tpu.memory_space<hbm>> -> memref<1x100x64xf32, #tpu.memory_space<hbm>>
      %dma_wait3A_750 = tpu.memref_squeeze %dma_wait3A_749 : memref<1x100x64xf32, #tpu.memory_space<hbm>> -> memref<100x64xf32, #tpu.memory_space<hbm>>
      tpu.wait_dma2 semaphore(%arg27 : memref<!tpu.dma_semaphore, #tpu.memory_space<semaphore_mem>>) src(%arg11 : memref<100x64xf32, #tpu.memory_space<vmem>>) dst(%dma_wait3A_750 : memref<100x64xf32, #tpu.memory_space<hbm>>)
      %lt3A_751 = arith.constant 248 : i32
      %lt3A_752 = arith.cmpi slt, %add3A_173, %lt3A_751 : i32
      %convert_element_type3A_753 = arith.extui %lt3A_752 : i1 to i32
      %cond3A_754 = arith.constant 0 : i32
      %cond3A_755 = arith.cmpi ne, %convert_element_type3A_753, %cond3A_754 : i32
      scf.if %cond3A_755 {
        %add3A_806 = arith.constant 4 : i32
        %add3A_807 = arith.addi %add3A_713, %add3A_806 : i32
        %dma_start3A_808 = arith.constant 0 : i32
        %dma_start3A_809 = tpu.memref_slice %arg6[%add3A_807, %dma_start3A_808] : memref<256x100xi32, #tpu.memory_space<vmem>> -> memref<1x100xi32, #tpu.memory_space<vmem>>
        %dma_start3A_810 = tpu.memref_squeeze %dma_start3A_809 : memref<1x100xi32, #tpu.memory_space<vmem>> -> memref<100xi32, #tpu.memory_space<vmem>>
        %dma_start3A_811 = arith.constant 0 : i32
        %dma_start3A_812 = arith.constant 0 : i32
        %dma_start3A_813 = tpu.memref_slice %arg3[%dma_start3A_811, %dma_start3A_812] : memref<100000x64xf32, #tpu.memory_space<hbm>> -> memref<100000x64xf32, #tpu.memory_space<hbm>>
        tpu.enqueue_indirect_dma source(%dma_start3A_813 : memref<100000x64xf32, #tpu.memory_space<hbm>>) target(%arg11 : memref<100x64xf32, #tpu.memory_space<vmem>>) offsets(%dma_start3A_810 : memref<100xi32, #tpu.memory_space<vmem>>) semaphore(%arg19 : memref<!tpu.dma_semaphore, #tpu.memory_space<semaphore_mem>>)
      } else {
      }
      %dma_wait3A_756 = arith.constant 0 : i32
      %dma_wait3A_757 = tpu.memref_slice %arg6[%add3A_713, %dma_wait3A_756] : memref<256x100xi32, #tpu.memory_space<vmem>> -> memref<1x100xi32, #tpu.memory_space<vmem>>
      %dma_wait3A_758 = tpu.memref_squeeze %dma_wait3A_757 : memref<1x100xi32, #tpu.memory_space<vmem>> -> memref<100xi32, #tpu.memory_space<vmem>>
      %dma_wait3A_759 = arith.constant 0 : i32
      %dma_wait3A_760 = arith.constant 0 : i32
      %dma_wait3A_761 = tpu.memref_slice %arg3[%dma_wait3A_759, %dma_wait3A_760] : memref<100000x64xf32, #tpu.memory_space<hbm>> -> memref<100000x64xf32, #tpu.memory_space<hbm>>
      tpu.wait_indirect_dma semaphore(%arg23 : memref<!tpu.dma_semaphore, #tpu.memory_space<semaphore_mem>>) src(%dma_wait3A_761 : memref<100000x64xf32, #tpu.memory_space<hbm>>) dst(%arg15 : memref<100x64xf32, #tpu.memory_space<vmem>>)
      %rem3A_762 = arith.constant 2 : i32
      %rem3A_763 = arith.remsi %add3A_713, %rem3A_762 : i32
      %mul3A_764 = arith.constant 100 : i32
      %mul3A_765 = arith.muli %rem3A_763, %mul3A_764 : i32
      %scan3A_766 = arith.constant 0 : i32
      %scan3A_767 = arith.constant 100 : i32
      %scan3A_768 = arith.addi %scan3A_766, %scan3A_767 : i32
      %scan3A_769 = arith.constant 2 : i32
      scf.for %scan3A_806 = %scan3A_766 to %scan3A_768 step %scan3A_769  : i32 {
        %mul3A_807 = arith.constant 1 : i32
        %mul3A_808 = arith.muli %scan3A_806, %mul3A_807 : i32
        %add3A_809 = arith.constant 0 : i32
        %add3A_810 = arith.addi %add3A_809, %mul3A_808 : i32
        %add3A_811 = arith.addi %mul3A_765, %add3A_810 : i32
        %get3A = arith.index_cast %add3A_811 : i32 to index
        %get3A_812 = arith.constant 0 : index
        %get3A_813 = tpu.vector_load %arg7[%get3A, %get3A_812] {strides = array<i32>} : memref<200x64xf32, #tpu.memory_space<vmem>>, vector<1x16xf32>,
        %get3A_814 = vector.shape_cast %get3A_813 : vector<1x16xf32> to vector<16xf32>
        %swap3A = arith.index_cast %add3A_810 : i32 to index
        %swap3A_815 = arith.constant 0 : index
        %swap3A_816 = tpu.vector_load %arg15[%swap3A, %swap3A_815] {strides = array<i32>} : memref<100x64xf32, #tpu.memory_space<vmem>>, vector<1x16xf32>,
        %swap3A_817 = vector.shape_cast %swap3A_816 : vector<1x16xf32> to vector<16xf32>
        %swap3A_818 = vector.shape_cast %get3A_814 : vector<16xf32> to vector<1x16xf32>
        tpu.vector_store %arg15[%swap3A, %swap3A_815], %swap3A_818 {add = true, strides = array<i32>} : memref<100x64xf32, #tpu.memory_space<vmem>>, vector<1x16xf32>,
        %add3A_819 = arith.addi %mul3A_765, %add3A_810 : i32
        %get3A_820 = arith.index_cast %add3A_819 : i32 to index
        %get3A_821 = arith.constant 16 : index
        %get3A_822 = tpu.vector_load %arg7[%get3A_820, %get3A_821] {strides = array<i32>} : memref<200x64xf32, #tpu.memory_space<vmem>>, vector<1x16xf32>,
        %get3A_823 = vector.shape_cast %get3A_822 : vector<1x16xf32> to vector<16xf32>
        %swap3A_824 = arith.index_cast %add3A_810 : i32 to index
        %swap3A_825 = arith.constant 16 : index
        %swap3A_826 = tpu.vector_load %arg15[%swap3A_824, %swap3A_825] {strides = array<i32>} : memref<100x64xf32, #tpu.memory_space<vmem>>, vector<1x16xf32>,
        %swap3A_827 = vector.shape_cast %swap3A_826 : vector<1x16xf32> to vector<16xf32>
        %swap3A_828 = vector.shape_cast %get3A_823 : vector<16xf32> to vector<1x16xf32>
        tpu.vector_store %arg15[%swap3A_824, %swap3A_825], %swap3A_828 {add = true, strides = array<i32>} : memref<100x64xf32, #tpu.memory_space<vmem>>, vector<1x16xf32>,
        %add3A_829 = arith.addi %mul3A_765, %add3A_810 : i32
        %get3A_830 = arith.index_cast %add3A_829 : i32 to index
        %get3A_831 = arith.constant 32 : index
        %get3A_832 = tpu.vector_load %arg7[%get3A_830, %get3A_831] {strides = array<i32>} : memref<200x64xf32, #tpu.memory_space<vmem>>, vector<1x16xf32>,
        %get3A_833 = vector.shape_cast %get3A_832 : vector<1x16xf32> to vector<16xf32>
        %swap3A_834 = arith.index_cast %add3A_810 : i32 to index
        %swap3A_835 = arith.constant 32 : index
        %swap3A_836 = tpu.vector_load %arg15[%swap3A_834, %swap3A_835] {strides = array<i32>} : memref<100x64xf32, #tpu.memory_space<vmem>>, vector<1x16xf32>,
        %swap3A_837 = vector.shape_cast %swap3A_836 : vector<1x16xf32> to vector<16xf32>
        %swap3A_838 = vector.shape_cast %get3A_833 : vector<16xf32> to vector<1x16xf32>
        tpu.vector_store %arg15[%swap3A_834, %swap3A_835], %swap3A_838 {add = true, strides = array<i32>} : memref<100x64xf32, #tpu.memory_space<vmem>>, vector<1x16xf32>,
        %add3A_839 = arith.addi %mul3A_765, %add3A_810 : i32
        %get3A_840 = arith.index_cast %add3A_839 : i32 to index
        %get3A_841 = arith.constant 48 : index
        %get3A_842 = tpu.vector_load %arg7[%get3A_840, %get3A_841] {strides = array<i32>} : memref<200x64xf32, #tpu.memory_space<vmem>>, vector<1x16xf32>,
        %get3A_843 = vector.shape_cast %get3A_842 : vector<1x16xf32> to vector<16xf32>
        %swap3A_844 = arith.index_cast %add3A_810 : i32 to index
        %swap3A_845 = arith.constant 48 : index
        %swap3A_846 = tpu.vector_load %arg15[%swap3A_844, %swap3A_845] {strides = array<i32>} : memref<100x64xf32, #tpu.memory_space<vmem>>, vector<1x16xf32>,
        %swap3A_847 = vector.shape_cast %swap3A_846 : vector<1x16xf32> to vector<16xf32>
        %swap3A_848 = vector.shape_cast %get3A_843 : vector<16xf32> to vector<1x16xf32>
        tpu.vector_store %arg15[%swap3A_844, %swap3A_845], %swap3A_848 {add = true, strides = array<i32>} : memref<100x64xf32, #tpu.memory_space<vmem>>, vector<1x16xf32>,
        %scan3A_849 = arith.constant 1 : i32
        %scan3A_850 = arith.addi %scan3A_806, %scan3A_849 : i32
        %mul3A_851 = arith.constant 1 : i32
        %mul3A_852 = arith.muli %scan3A_850, %mul3A_851 : i32
        %add3A_853 = arith.constant 0 : i32
        %add3A_854 = arith.addi %add3A_853, %mul3A_852 : i32
        %add3A_855 = arith.addi %mul3A_765, %add3A_854 : i32
        %get3A_856 = arith.index_cast %add3A_855 : i32 to index
        %get3A_857 = arith.constant 0 : index
        %get3A_858 = tpu.vector_load %arg7[%get3A_856, %get3A_857] {strides = array<i32>} : memref<200x64xf32, #tpu.memory_space<vmem>>, vector<1x16xf32>,
        %get3A_859 = vector.shape_cast %get3A_858 : vector<1x16xf32> to vector<16xf32>
        %swap3A_860 = arith.index_cast %add3A_854 : i32 to index
        %swap3A_861 = arith.constant 0 : index
        %swap3A_862 = tpu.vector_load %arg15[%swap3A_860, %swap3A_861] {strides = array<i32>} : memref<100x64xf32, #tpu.memory_space<vmem>>, vector<1x16xf32>,
        %swap3A_863 = vector.shape_cast %swap3A_862 : vector<1x16xf32> to vector<16xf32>
        %swap3A_864 = vector.shape_cast %get3A_859 : vector<16xf32> to vector<1x16xf32>
        tpu.vector_store %arg15[%swap3A_860, %swap3A_861], %swap3A_864 {add = true, strides = array<i32>} : memref<100x64xf32, #tpu.memory_space<vmem>>, vector<1x16xf32>,
        %add3A_865 = arith.addi %mul3A_765, %add3A_854 : i32
        %get3A_866 = arith.index_cast %add3A_865 : i32 to index
        %get3A_867 = arith.constant 16 : index
        %get3A_868 = tpu.vector_load %arg7[%get3A_866, %get3A_867] {strides = array<i32>} : memref<200x64xf32, #tpu.memory_space<vmem>>, vector<1x16xf32>,
        %get3A_869 = vector.shape_cast %get3A_868 : vector<1x16xf32> to vector<16xf32>
        %swap3A_870 = arith.index_cast %add3A_854 : i32 to index
        %swap3A_871 = arith.constant 16 : index
        %swap3A_872 = tpu.vector_load %arg15[%swap3A_870, %swap3A_871] {strides = array<i32>} : memref<100x64xf32, #tpu.memory_space<vmem>>, vector<1x16xf32>,
        %swap3A_873 = vector.shape_cast %swap3A_872 : vector<1x16xf32> to vector<16xf32>
        %swap3A_874 = vector.shape_cast %get3A_869 : vector<16xf32> to vector<1x16xf32>
        tpu.vector_store %arg15[%swap3A_870, %swap3A_871], %swap3A_874 {add = true, strides = array<i32>} : memref<100x64xf32, #tpu.memory_space<vmem>>, vector<1x16xf32>,
        %add3A_875 = arith.addi %mul3A_765, %add3A_854 : i32
        %get3A_876 = arith.index_cast %add3A_875 : i32 to index
        %get3A_877 = arith.constant 32 : index
        %get3A_878 = tpu.vector_load %arg7[%get3A_876, %get3A_877] {strides = array<i32>} : memref<200x64xf32, #tpu.memory_space<vmem>>, vector<1x16xf32>,
        %get3A_879 = vector.shape_cast %get3A_878 : vector<1x16xf32> to vector<16xf32>
        %swap3A_880 = arith.index_cast %add3A_854 : i32 to index
        %swap3A_881 = arith.constant 32 : index
        %swap3A_882 = tpu.vector_load %arg15[%swap3A_880, %swap3A_881] {strides = array<i32>} : memref<100x64xf32, #tpu.memory_space<vmem>>, vector<1x16xf32>,
        %swap3A_883 = vector.shape_cast %swap3A_882 : vector<1x16xf32> to vector<16xf32>
        %swap3A_884 = vector.shape_cast %get3A_879 : vector<16xf32> to vector<1x16xf32>
        tpu.vector_store %arg15[%swap3A_880, %swap3A_881], %swap3A_884 {add = true, strides = array<i32>} : memref<100x64xf32, #tpu.memory_space<vmem>>, vector<1x16xf32>,
        %add3A_885 = arith.addi %mul3A_765, %add3A_854 : i32
        %get3A_886 = arith.index_cast %add3A_885 : i32 to index
        %get3A_887 = arith.constant 48 : index
        %get3A_888 = tpu.vector_load %arg7[%get3A_886, %get3A_887] {strides = array<i32>} : memref<200x64xf32, #tpu.memory_space<vmem>>, vector<1x16xf32>,
        %get3A_889 = vector.shape_cast %get3A_888 : vector<1x16xf32> to vector<16xf32>
        %swap3A_890 = arith.index_cast %add3A_854 : i32 to index
        %swap3A_891 = arith.constant 48 : index
        %swap3A_892 = tpu.vector_load %arg15[%swap3A_890, %swap3A_891] {strides = array<i32>} : memref<100x64xf32, #tpu.memory_space<vmem>>, vector<1x16xf32>,
        %swap3A_893 = vector.shape_cast %swap3A_892 : vector<1x16xf32> to vector<16xf32>
        %swap3A_894 = vector.shape_cast %get3A_889 : vector<16xf32> to vector<1x16xf32>
        tpu.vector_store %arg15[%swap3A_890, %swap3A_891], %swap3A_894 {add = true, strides = array<i32>} : memref<100x64xf32, #tpu.memory_space<vmem>>, vector<1x16xf32>,
      }
      %scan3A_770 = arith.constant 100 : i32
      %add3A_771 = arith.addi %mul3A_2, %add3A_713 : i32
      %jit3A_772 = arith.constant 2 : i32
      %div3A_773 = arith.divsi %add3A_771, %jit3A_772 : i32
      %sign3A_774 = arith.constant 0 : i32
      %sign3A_775 = arith.cmpi sgt, %add3A_771, %sign3A_774 : i32
      %sign3A_776 = arith.extui %sign3A_775 : i1 to i32
      %sign3A_777 = arith.constant 0 : i32
      %sign3A_778 = arith.cmpi slt, %add3A_771, %sign3A_777 : i32
      %sign3A_779 = arith.extui %sign3A_778 : i1 to i32
      %sign3A_780 = arith.subi %sign3A_776, %sign3A_779 : i32
      %sign3A_781 = arith.constant 0 : i32
      %sign3A_782 = arith.cmpi sgt, %jit3A_772, %sign3A_781 : i32
      %sign3A_783 = arith.extui %sign3A_782 : i1 to i32
      %sign3A_784 = arith.constant 0 : i32
      %sign3A_785 = arith.cmpi slt, %jit3A_772, %sign3A_784 : i32
      %sign3A_786 = arith.extui %sign3A_785 : i1 to i32
      %sign3A_787 = arith.subi %sign3A_783, %sign3A_786 : i32
      %ne3A_788 = arith.cmpi ne, %sign3A_780, %sign3A_787 : i32
      %rem3A_789 = arith.remsi %add3A_771, %jit3A_772 : i32
      %ne3A_790 = arith.constant 0 : i32
      %ne3A_791 = arith.cmpi ne, %rem3A_789, %ne3A_790 : i32
      %and3A_792 = arith.andi %ne3A_788, %ne3A_791 : i1
      %sub3A_793 = arith.constant 1 : i32
      %sub3A_794 = arith.subi %div3A_773, %sub3A_793 : i32
      %select_n3A_795 = arith.select %and3A_792, %sub3A_794, %div3A_773 : i32
      %rem3A_796 = arith.constant 2 : i32
      %rem3A_797 = arith.remsi %add3A_771, %rem3A_796 : i32
      %mul3A_798 = arith.constant 100 : i32
      %mul3A_799 = arith.muli %rem3A_797, %mul3A_798 : i32
      %dma_start3A_800 = arith.constant 0 : i32
      %dma_start3A_801 = tpu.memref_slice %arg5[%select_n3A_795, %mul3A_799, %dma_start3A_800] : memref<4096x200x64xf32, #tpu.memory_space<hbm>> -> memref<1x100x64xf32, #tpu.memory_space<hbm>>
      %dma_start3A_802 = tpu.memref_squeeze %dma_start3A_801 : memref<1x100x64xf32, #tpu.memory_space<hbm>> -> memref<100x64xf32, #tpu.memory_space<hbm>>
      %dma_start3A_803 = arith.constant 0 : i32
      %dma_start3A_804 = tpu.memref_slice %arg5[%select_n3A_795, %mul3A_799, %dma_start3A_803] : memref<4096x200x64xf32, #tpu.memory_space<hbm>> -> memref<1x100x64xf32, #tpu.memory_space<hbm>>
      %dma_start3A_805 = tpu.memref_squeeze %dma_start3A_804 : memref<1x100x64xf32, #tpu.memory_space<hbm>> -> memref<100x64xf32, #tpu.memory_space<hbm>>
      tpu.enqueue_dma source(%arg15 : memref<100x64xf32, #tpu.memory_space<vmem>>) target(%dma_start3A_805 : memref<100x64xf32, #tpu.memory_space<hbm>>) target_semaphore(%arg31 : memref<!tpu.dma_semaphore, #tpu.memory_space<semaphore_mem>>)
    }
    %scan3A_33 = arith.constant 32 : i32
    %add3A_34 = arith.constant 252 : i32
    %add3A_35 = arith.addi %mul3A_2, %add3A_34 : i32
    %jit3A = arith.constant 2 : i32
    %div3A = arith.divsi %add3A_35, %jit3A : i32
    %sign3A = arith.constant 0 : i32
    %sign3A_36 = arith.cmpi sgt, %add3A_35, %sign3A : i32
    %sign3A_37 = arith.extui %sign3A_36 : i1 to i32
    %sign3A_38 = arith.constant 0 : i32
    %sign3A_39 = arith.cmpi slt, %add3A_35, %sign3A_38 : i32
    %sign3A_40 = arith.extui %sign3A_39 : i1 to i32
    %sign3A_41 = arith.subi %sign3A_37, %sign3A_40 : i32
    %sign3A_42 = arith.constant 0 : i32
    %sign3A_43 = arith.cmpi sgt, %jit3A, %sign3A_42 : i32
    %sign3A_44 = arith.extui %sign3A_43 : i1 to i32
    %sign3A_45 = arith.constant 0 : i32
    %sign3A_46 = arith.cmpi slt, %jit3A, %sign3A_45 : i32
    %sign3A_47 = arith.extui %sign3A_46 : i1 to i32
    %sign3A_48 = arith.subi %sign3A_44, %sign3A_47 : i32
    %ne3A = arith.cmpi ne, %sign3A_41, %sign3A_48 : i32
    %rem3A = arith.remsi %add3A_35, %jit3A : i32
    %ne3A_49 = arith.constant 0 : i32
    %ne3A_50 = arith.cmpi ne, %rem3A, %ne3A_49 : i32
    %and3A = arith.andi %ne3A, %ne3A_50 : i1
    %sub3A = arith.constant 1 : i32
    %sub3A_51 = arith.subi %div3A, %sub3A : i32
    %select_n3A = arith.select %and3A, %sub3A_51, %div3A : i32
    %rem3A_52 = arith.constant 2 : i32
    %rem3A_53 = arith.remsi %add3A_35, %rem3A_52 : i32
    %mul3A_54 = arith.constant 100 : i32
    %mul3A_55 = arith.muli %rem3A_53, %mul3A_54 : i32
    %dma_wait3A = arith.constant 0 : i32
    %dma_wait3A_56 = tpu.memref_slice %arg5[%select_n3A, %mul3A_55, %dma_wait3A] : memref<4096x200x64xf32, #tpu.memory_space<hbm>> -> memref<1x100x64xf32, #tpu.memory_space<hbm>>
    %dma_wait3A_57 = tpu.memref_squeeze %dma_wait3A_56 : memref<1x100x64xf32, #tpu.memory_space<hbm>> -> memref<100x64xf32, #tpu.memory_space<hbm>>
    %dma_wait3A_58 = arith.constant 0 : i32
    %dma_wait3A_59 = tpu.memref_slice %arg5[%select_n3A, %mul3A_55, %dma_wait3A_58] : memref<4096x200x64xf32, #tpu.memory_space<hbm>> -> memref<1x100x64xf32, #tpu.memory_space<hbm>>
    %dma_wait3A_60 = tpu.memref_squeeze %dma_wait3A_59 : memref<1x100x64xf32, #tpu.memory_space<hbm>> -> memref<100x64xf32, #tpu.memory_space<hbm>>
    tpu.wait_dma2 semaphore(%arg28 : memref<!tpu.dma_semaphore, #tpu.memory_space<semaphore_mem>>) src(%arg12 : memref<100x64xf32, #tpu.memory_space<vmem>>) dst(%dma_wait3A_60 : memref<100x64xf32, #tpu.memory_space<hbm>>)
    %add3A_61 = arith.constant 253 : i32
    %add3A_62 = arith.addi %mul3A_2, %add3A_61 : i32
    %jit3A_63 = arith.constant 2 : i32
    %div3A_64 = arith.divsi %add3A_62, %jit3A_63 : i32
    %sign3A_65 = arith.constant 0 : i32
    %sign3A_66 = arith.cmpi sgt, %add3A_62, %sign3A_65 : i32
    %sign3A_67 = arith.extui %sign3A_66 : i1 to i32
    %sign3A_68 = arith.constant 0 : i32
    %sign3A_69 = arith.cmpi slt, %add3A_62, %sign3A_68 : i32
    %sign3A_70 = arith.extui %sign3A_69 : i1 to i32
    %sign3A_71 = arith.subi %sign3A_67, %sign3A_70 : i32
    %sign3A_72 = arith.constant 0 : i32
    %sign3A_73 = arith.cmpi sgt, %jit3A_63, %sign3A_72 : i32
    %sign3A_74 = arith.extui %sign3A_73 : i1 to i32
    %sign3A_75 = arith.constant 0 : i32
    %sign3A_76 = arith.cmpi slt, %jit3A_63, %sign3A_75 : i32
    %sign3A_77 = arith.extui %sign3A_76 : i1 to i32
    %sign3A_78 = arith.subi %sign3A_74, %sign3A_77 : i32
    %ne3A_79 = arith.cmpi ne, %sign3A_71, %sign3A_78 : i32
    %rem3A_80 = arith.remsi %add3A_62, %jit3A_63 : i32
    %ne3A_81 = arith.constant 0 : i32
    %ne3A_82 = arith.cmpi ne, %rem3A_80, %ne3A_81 : i32
    %and3A_83 = arith.andi %ne3A_79, %ne3A_82 : i1
    %sub3A_84 = arith.constant 1 : i32
    %sub3A_85 = arith.subi %div3A_64, %sub3A_84 : i32
    %select_n3A_86 = arith.select %and3A_83, %sub3A_85, %div3A_64 : i32
    %rem3A_87 = arith.constant 2 : i32
    %rem3A_88 = arith.remsi %add3A_62, %rem3A_87 : i32
    %mul3A_89 = arith.constant 100 : i32
    %mul3A_90 = arith.muli %rem3A_88, %mul3A_89 : i32
    %dma_wait3A_91 = arith.constant 0 : i32
    %dma_wait3A_92 = tpu.memref_slice %arg5[%select_n3A_86, %mul3A_90, %dma_wait3A_91] : memref<4096x200x64xf32, #tpu.memory_space<hbm>> -> memref<1x100x64xf32, #tpu.memory_space<hbm>>
    %dma_wait3A_93 = tpu.memref_squeeze %dma_wait3A_92 : memref<1x100x64xf32, #tpu.memory_space<hbm>> -> memref<100x64xf32, #tpu.memory_space<hbm>>
    %dma_wait3A_94 = arith.constant 0 : i32
    %dma_wait3A_95 = tpu.memref_slice %arg5[%select_n3A_86, %mul3A_90, %dma_wait3A_94] : memref<4096x200x64xf32, #tpu.memory_space<hbm>> -> memref<1x100x64xf32, #tpu.memory_space<hbm>>
    %dma_wait3A_96 = tpu.memref_squeeze %dma_wait3A_95 : memref<1x100x64xf32, #tpu.memory_space<hbm>> -> memref<100x64xf32, #tpu.memory_space<hbm>>
    tpu.wait_dma2 semaphore(%arg29 : memref<!tpu.dma_semaphore, #tpu.memory_space<semaphore_mem>>) src(%arg13 : memref<100x64xf32, #tpu.memory_space<vmem>>) dst(%dma_wait3A_96 : memref<100x64xf32, #tpu.memory_space<hbm>>)
    %add3A_97 = arith.constant 254 : i32
    %add3A_98 = arith.addi %mul3A_2, %add3A_97 : i32
    %jit3A_99 = arith.constant 2 : i32
    %div3A_100 = arith.divsi %add3A_98, %jit3A_99 : i32
    %sign3A_101 = arith.constant 0 : i32
    %sign3A_102 = arith.cmpi sgt, %add3A_98, %sign3A_101 : i32
    %sign3A_103 = arith.extui %sign3A_102 : i1 to i32
    %sign3A_104 = arith.constant 0 : i32
    %sign3A_105 = arith.cmpi slt, %add3A_98, %sign3A_104 : i32
    %sign3A_106 = arith.extui %sign3A_105 : i1 to i32
    %sign3A_107 = arith.subi %sign3A_103, %sign3A_106 : i32
    %sign3A_108 = arith.constant 0 : i32
    %sign3A_109 = arith.cmpi sgt, %jit3A_99, %sign3A_108 : i32
    %sign3A_110 = arith.extui %sign3A_109 : i1 to i32
    %sign3A_111 = arith.constant 0 : i32
    %sign3A_112 = arith.cmpi slt, %jit3A_99, %sign3A_111 : i32
    %sign3A_113 = arith.extui %sign3A_112 : i1 to i32
    %sign3A_114 = arith.subi %sign3A_110, %sign3A_113 : i32
    %ne3A_115 = arith.cmpi ne, %sign3A_107, %sign3A_114 : i32
    %rem3A_116 = arith.remsi %add3A_98, %jit3A_99 : i32
    %ne3A_117 = arith.constant 0 : i32
    %ne3A_118 = arith.cmpi ne, %rem3A_116, %ne3A_117 : i32
    %and3A_119 = arith.andi %ne3A_115, %ne3A_118 : i1
    %sub3A_120 = arith.constant 1 : i32
    %sub3A_121 = arith.subi %div3A_100, %sub3A_120 : i32
    %select_n3A_122 = arith.select %and3A_119, %sub3A_121, %div3A_100 : i32
    %rem3A_123 = arith.constant 2 : i32
    %rem3A_124 = arith.remsi %add3A_98, %rem3A_123 : i32
    %mul3A_125 = arith.constant 100 : i32
    %mul3A_126 = arith.muli %rem3A_124, %mul3A_125 : i32
    %dma_wait3A_127 = arith.constant 0 : i32
    %dma_wait3A_128 = tpu.memref_slice %arg5[%select_n3A_122, %mul3A_126, %dma_wait3A_127] : memref<4096x200x64xf32, #tpu.memory_space<hbm>> -> memref<1x100x64xf32, #tpu.memory_space<hbm>>
    %dma_wait3A_129 = tpu.memref_squeeze %dma_wait3A_128 : memref<1x100x64xf32, #tpu.memory_space<hbm>> -> memref<100x64xf32, #tpu.memory_space<hbm>>
    %dma_wait3A_130 = arith.constant 0 : i32
    %dma_wait3A_131 = tpu.memref_slice %arg5[%select_n3A_122, %mul3A_126, %dma_wait3A_130] : memref<4096x200x64xf32, #tpu.memory_space<hbm>> -> memref<1x100x64xf32, #tpu.memory_space<hbm>>
    %dma_wait3A_132 = tpu.memref_squeeze %dma_wait3A_131 : memref<1x100x64xf32, #tpu.memory_space<hbm>> -> memref<100x64xf32, #tpu.memory_space<hbm>>
    tpu.wait_dma2 semaphore(%arg30 : memref<!tpu.dma_semaphore, #tpu.memory_space<semaphore_mem>>) src(%arg14 : memref<100x64xf32, #tpu.memory_space<vmem>>) dst(%dma_wait3A_132 : memref<100x64xf32, #tpu.memory_space<hbm>>)
    %add3A_133 = arith.constant 255 : i32
    %add3A_134 = arith.addi %mul3A_2, %add3A_133 : i32
    %jit3A_135 = arith.constant 2 : i32
    %div3A_136 = arith.divsi %add3A_134, %jit3A_135 : i32
    %sign3A_137 = arith.constant 0 : i32
    %sign3A_138 = arith.cmpi sgt, %add3A_134, %sign3A_137 : i32
    %sign3A_139 = arith.extui %sign3A_138 : i1 to i32
    %sign3A_140 = arith.constant 0 : i32
    %sign3A_141 = arith.cmpi slt, %add3A_134, %sign3A_140 : i32
    %sign3A_142 = arith.extui %sign3A_141 : i1 to i32
    %sign3A_143 = arith.subi %sign3A_139, %sign3A_142 : i32
    %sign3A_144 = arith.constant 0 : i32
    %sign3A_145 = arith.cmpi sgt, %jit3A_135, %sign3A_144 : i32
    %sign3A_146 = arith.extui %sign3A_145 : i1 to i32
    %sign3A_147 = arith.constant 0 : i32
    %sign3A_148 = arith.cmpi slt, %jit3A_135, %sign3A_147 : i32
    %sign3A_149 = arith.extui %sign3A_148 : i1 to i32
    %sign3A_150 = arith.subi %sign3A_146, %sign3A_149 : i32
    %ne3A_151 = arith.cmpi ne, %sign3A_143, %sign3A_150 : i32
    %rem3A_152 = arith.remsi %add3A_134, %jit3A_135 : i32
    %ne3A_153 = arith.constant 0 : i32
    %ne3A_154 = arith.cmpi ne, %rem3A_152, %ne3A_153 : i32
    %and3A_155 = arith.andi %ne3A_151, %ne3A_154 : i1
    %sub3A_156 = arith.constant 1 : i32
    %sub3A_157 = arith.subi %div3A_136, %sub3A_156 : i32
    %select_n3A_158 = arith.select %and3A_155, %sub3A_157, %div3A_136 : i32
    %rem3A_159 = arith.constant 2 : i32
    %rem3A_160 = arith.remsi %add3A_134, %rem3A_159 : i32
    %mul3A_161 = arith.constant 100 : i32
    %mul3A_162 = arith.muli %rem3A_160, %mul3A_161 : i32
    %dma_wait3A_163 = arith.constant 0 : i32
    %dma_wait3A_164 = tpu.memref_slice %arg5[%select_n3A_158, %mul3A_162, %dma_wait3A_163] : memref<4096x200x64xf32, #tpu.memory_space<hbm>> -> memref<1x100x64xf32, #tpu.memory_space<hbm>>
    %dma_wait3A_165 = tpu.memref_squeeze %dma_wait3A_164 : memref<1x100x64xf32, #tpu.memory_space<hbm>> -> memref<100x64xf32, #tpu.memory_space<hbm>>
    %dma_wait3A_166 = arith.constant 0 : i32
    %dma_wait3A_167 = tpu.memref_slice %arg5[%select_n3A_158, %mul3A_162, %dma_wait3A_166] : memref<4096x200x64xf32, #tpu.memory_space<hbm>> -> memref<1x100x64xf32, #tpu.memory_space<hbm>>
    %dma_wait3A_168 = tpu.memref_squeeze %dma_wait3A_167 : memref<1x100x64xf32, #tpu.memory_space<hbm>> -> memref<100x64xf32, #tpu.memory_space<hbm>>
    tpu.wait_dma2 semaphore(%arg31 : memref<!tpu.dma_semaphore, #tpu.memory_space<semaphore_mem>>) src(%arg15 : memref<100x64xf32, #tpu.memory_space<vmem>>) dst(%dma_wait3A_168 : memref<100x64xf32, #tpu.memory_space<hbm>>)
    return
  }
}

</mosaic_0001>

<sc_bundles>
// kernel: kernel.3.cloned.1.call-start
scs
__scs_entry_jumppad:
0x0: {  	(pc) =	sbr.rel $0x88, $3  }
0x1: {  	(tag) =	ssettag $0x0;
	lr =	simm.s32 $0x1  }
0x2: {  	[smem:$0x3F9E] =	sst lr;
	_ =	strace $0xD0000000  }
0x3: {  	_ = 	snop  }
0x4: {  	_ = 	snop  }
0x5: {  	_ = 	snop  }
0x6: {  	_ = 	snop  }
0x7: {  	_ = 	snop  }
__scs_overlays_trampoline_lowered:
0x8: {  	[smem:$0x3FAD] =	sst s0  }
0x9: {  	[smem:$0x3FAE] =	sst s1  }
0xa: {  	[smem:$0x3FAF] =	sst s2  }
0xb: {  	[smem:$0x3FB0] =	sst s3  }
0xc: {  	[smem:$0x3FB1] =	sst s4  }
0xd: {  	[smem:$0x3FB2] =	sst s5  }
0xe: {  	[smem:$0x3FB3] =	sst s6  }
0xf: {  	[smem:$0x3FB4] =	sst s7  }
0x10: {  	[smem:$0x3FB5] =	sst s8  }
0x11: {  	[smem:$0x3FB6] =	sst s9;
	s0 =	simm.s32 @!p0 $0x0  }
0x12: {  	s1 =	sld [smem:$0x3F9C];
	s0 =	simm.s32 @p0 $0x1  }
0x13: {  	[smem:$0x3FB7] =	sst s0;
	s0 =	simm.s32 @!p1 $0x0  }
0x14: {  	s2 =	sld [smem:$0x3F9B];
	s0 =	simm.s32 @p1 $0x1  }
0x15: {  	[smem:$0x3FB8] =	sst s0;
	s0 =	simm.s32 @!p2 $0x0  }
0x16: {  	s3 =	sld [smem:$0x3FDB];
	s0 =	simm.s32 @p2 $0x1  }
0x17: {  	s4 =	simm.s32 $0x1BF5;
	[smem:$0x3FBA] =	sst s0  }
0x18: {  	s0 =	sld [smem:$0x3F9D];
	_ =	swait.ge [sflag:s4], $0x0  }
0x19: {  	s7 =	sld [smem:$0x3F9E]  }
0x1a: {  	s8 =	sadd.s32 $0xFFFFE003, lr  }
0x1b: {  	s9 =	sadd.s32 $0xFFFFFEF7, lr;
	s5 =	simm.s32 $0xFFFFFFFF;
	p2 =	slt.u32 s8, $0xFFFFF086  }
0x1c: {  	p1 =	slt.u32 s9, $0xF7A;
	s5 =	simm.s32 @!p2 $0x0  }
0x1d: {  	s5 =	simm.s32 @p1 $0x1;
	p0 =	seq.s32 s7, s2  }
0x1e: {  	s7 =	smul.u32 @!p0 $0xF7A, s2;
	p2 =	seq.s32 @!p0 s5, $0x0  }
0x1f: {  	s9 =	smul.u32 $0xF7A, s1;
	s8 =	simm.s32 @!p0 $0x1BF5;
	p2 =	por !p2, p0  }
0x20: {  	[sflag:s8] =	ssyncset.s32 @!p0 $0xFFFFF086;
	s6 =	sadd.s32 @!p0 s3, s7;
	s7 =	simm.s32 @!p0 $0x108  }
0x21: {  	s3 =	sadd.s32 s3, s9;
	s6 =	sadd.s32 @!p0 $0x88, s6;
	s7 =	simm.s32 @p2 $0x1082  }
0x22: {  	[simem:s7], [sflag:s8] =	dma.local @!p0 [hbm:s6], $0xF7A  }
0x23: {  	s9 =	sor.u32 $0xD0000000, s2;
	s6 =	simm.s32 $0x108;
	_ =	swait.ge @!p0 [sflag:s8], $0x0  }
0x24: {  	s3 =	sadd.s32 $0x88, s3;
	s6 =	simm.s32 @!p1 $0x1082;
	[sflag:s4] =	ssyncset.s32 $0xFFFFF086  }
0x25: {  	[simem:s6], [sflag:s4] =	dma.local [hbm:s3], $0xF7A  }
0x26: {  	[smem:$0x3F9E] =	sst s1;
	(tag) =	ssettag s2;
	_ =	strace s9  }
0x27: {  	s1 =	sld [smem:$0x3FAE]  }
0x28: {  	s2 =	sld [smem:$0x3FAF]  }
0x29: {  	s4 =	sld [smem:$0x3FB1]  }
0x2a: {  	p0 =	seq.s32 s5, $0x0;
	s5 =	sld [smem:$0x3FB2]  }
0x2b: {  	s6 =	sld [smem:$0x3FB3]  }
0x2c: {  	s7 =	sld [smem:$0x3FB4]  }
0x2d: {  	s3 =	simm.s32 $0x108;
	s8 =	sld [smem:$0x3FB5]  }
0x2e: {  	s3 =	simm.s32 @!p0 $0x1082;
	s9 =	sld [smem:$0x3FB6]  }
0x2f: {  	lr =	sadd.s32 s0, s3;
	s0 =	sld [smem:$0x3FAD]  }
0x30: {  	s3 =	sld [smem:$0x3FB0]  }
0x31: {  	[smem:$0x3FB9] =	sst s10  }
0x32: {  	s10 =	sld [smem:$0x3FB7];
	_ =	sdelay $0x3  }
0x33: {  	p0 =	seq.s32 s10, $0x1;
	s10 =	sld [smem:$0x3FB9];
	_ =	sdelay $0x3  }
0x34: {  	[smem:$0x3FB9] =	sst s10  }
0x35: {  	s10 =	sld [smem:$0x3FB8];
	_ =	sdelay $0x3  }
0x36: {  	p1 =	seq.s32 s10, $0x1;
	s10 =	sld [smem:$0x3FB9];
	_ =	sdelay $0x3  }
0x37: {  	[smem:$0x3FB9] =	sst s10  }
0x38: {  	s10 =	sld [smem:$0x3FBA]  }
0x39: {  	_ = 	snop;
	(pc) =	sbr.ind lr, $3  }
0x3a: {  	_ = 	snop  }
0x3b: {  	_ = 	snop  }
0x3c: {  	p2 =	seq.s32 s10, $0x1;
	s10 =	sld [smem:$0x3FB9]  }
0x3d: {  	_ =	shalt  }
0x3e: {  	_ =	shalt  }
0x3f: {  	_ =	shalt  }
0x40: {  	_ =	shalt  }
0x41: {  	_ =	shalt  }
0x42: {  	_ =	shalt  }
0x43: {  	_ =	shalt  }
0x44: {  	_ =	shalt  }
0x45: {  	_ =	shalt  }
0x46: {  	_ =	shalt  }
0x47: {  	_ =	shalt  }
0x48: {  	_ =	shalt  }
0x49: {  	_ =	shalt  }
0x4a: {  	_ =	shalt  }
0x4b: {  	_ =	shalt  }
0x4c: {  	_ =	shalt  }
0x4d: {  	_ =	shalt  }
0x4e: {  	_ =	shalt  }
0x4f: {  	_ =	shalt  }
0x50: {  	_ =	shalt  }
0x51: {  	_ =	shalt  }
0x52: {  	_ =	shalt  }
0x53: {  	_ =	shalt  }
0x54: {  	_ =	shalt  }
0x55: {  	_ =	shalt  }
0x56: {  	_ =	shalt  }
0x57: {  	_ =	shalt  }
0x58: {  	_ =	shalt  }
0x59: {  	_ =	shalt  }
0x5a: {  	_ =	shalt  }
0x5b: {  	_ =	shalt  }
0x5c: {  	_ =	shalt  }
0x5d: {  	_ =	shalt  }
0x5e: {  	_ =	shalt  }
0x5f: {  	_ =	shalt  }
0x60: {  	_ =	shalt  }
0x61: {  	_ =	shalt  }
0x62: {  	_ =	shalt  }
0x63: {  	_ =	shalt  }
0x64: {  	_ =	shalt  }
0x65: {  	_ =	shalt  }
0x66: {  	_ =	shalt  }
0x67: {  	_ =	shalt  }
0x68: {  	_ =	shalt  }
0x69: {  	_ =	shalt  }
0x6a: {  	_ =	shalt  }
0x6b: {  	_ =	shalt  }
0x6c: {  	_ =	shalt  }
0x6d: {  	_ =	shalt  }
0x6e: {  	_ =	shalt  }
0x6f: {  	_ =	shalt  }
0x70: {  	_ =	shalt  }
0x71: {  	_ =	shalt  }
0x72: {  	_ =	shalt  }
0x73: {  	_ =	shalt  }
0x74: {  	_ =	shalt  }
0x75: {  	_ =	shalt  }
0x76: {  	_ =	shalt  }
0x77: {  	_ =	shalt  }
0x78: {  	_ =	shalt  }
0x79: {  	_ =	shalt  }
0x7a: {  	_ =	shalt  }
0x7b: {  	_ =	shalt  }
0x7c: {  	_ =	shalt  }
0x7d: {  	_ =	shalt  }
0x7e: {  	_ =	shalt  }
0x7f: {  	_ =	shalt  }
0x80: {  	_ =	shalt  }
0x81: {  	_ =	shalt  }
0x82: {  	_ =	shalt  }
0x83: {  	_ =	shalt  }
0x84: {  	_ =	shalt  }
0x85: {  	_ =	shalt  }
0x86: {  	_ =	shalt  }
0x87: {  	_ =	shalt  }
.Lfunc_end0:
.L_simem_size_0:
called_computation.1_lowered:
.L_overlay_start_0:
0x88: {  	s2 =	sld [smem:$0x3FD9]  }
0x89: {  	s3 =	sld [smem:$0x3FFE];
	_ =	sdelay $0x1  }
0x8a: {  	s1 =	srdreg.scid  }
0x8b: {  	s0 =	sand.u32 $0x1, s1  }
0x8c: {  	s17 =	sshll.u32 s0, $0xA;
	s2 =	sadd.s32 s3, s2  }
0x8d: {  	s2 =	sadd.s32 s2, s17  }
0x8e: {  	[smem:$0x3FC5] =	sst s2  }
0x8f: {  	_ = 	snop  }
0x90: {  	s2 =	sld [smem:$0x3FD0];
	(tm) =	ssettm $0x1  }
0x91: {  	s18 =	sld [smem:$0x3FFB];
	_ =	sdelay $0x3  }
0x92: {  	_ =	strace s18  }
0x93: {  	s3 =	sld [smem:$0x3FFC];
	_ =	sdelay $0x3  }
0x94: {  	_ =	strace s3  }
0x95: {  	s3 =	sld [smem:$0x3FFD];
	_ =	sdelay $0x3  }
0x96: {  	_ =	strace s3  }
0x97: {  	_ =	strace $0x8FFFFFFF  }
0x98: {  	s19 =	sld [smem:$0x3FDB];
	_ =	sdelay $0x1  }
0x99: {  	s4 =	simm.s32 $_scs_section_size  }
0x9a: {  	s5 =	simm.s32 $_size__tile_overlayer_lowered;
	s6 =	simm.s32 $_tile_overlayer_lowered  }
0x9b: {  	s22 =	simm.s32 $0x1BFF;
	s21 =	sshll.u32 s6, $0x1;
	s3 =	sadd.s32 s4, s19  }
0x9c: {  	s7 =	simm.s32 $0x0;
	s20 =	sshll.u32 s5, $0x1;
	s5 =	sadd.s32 s21, s3  }
0x9d: {  	[timem:s7], [sflag:s22] =	dma.local [hbm:s5], s20  }
0x9e: {  	_ =	swait.ge [sflag:s22], s20  }
0x9f: {  	s4 =	ssub.s32 $0x0, s20;
	[sflag:s22] =	ssyncset.done $0x0  }
0xa0: {  	[sflag:s22] =	ssyncadd.s32 s4;
	_ =	sdelay $0x1  }
0xa1: {  	s23 =	simm.s32 $0x1B8B  }
0xa2: {  	_ =	swait.ge [sflag:s23], $0x1  }
0xa3: {  	[sflag:s23] =	ssyncset.done $0x0  }
0xa4: {  	s25 =	simm.s32 $0x1B8E;
	s24 =	sld [smem:$0x3FFE];
	[sflag:s23] =	ssyncadd.s32 $0xFFFFFFFF  }
0xa5: {  	s26 =	simm.s32 $execute0_lowered;
	[smem:$0x3FD2] =	sst s25  }
0xa6: {  	s5 =	sshll.u32 s26, $0x1;
	_ =	strace $0x80000046;
	[dreg:$0x1] =	wrdreg $0xFFFFFFFF  }
0xa7: {  	s28 =	simm.s32 $_size_execute0_lowered;
	s3 =	sadd.s32 s3, s5;
	[dreg:$0x0] =	wrdreg $0x0  }
0xa8: {  	s5 =	sshll.u32 s28, $0x1;
	[dreg:$0x2] =	wrdreg s3  }
0xa9: {  	[dreg:$0x3] =	wrdreg s5  }
0xaa: {  	[dreg:$0x4] =	wrdreg $0xC0  }
0xab: {  	_ =	task [dreg:s7], $0x5FFFF  }
0xac: {  	[dreg:$0x1] =	wrdreg $0xFFFFFFFF  }
0xad: {  	[dreg:$0x0] =	wrdreg $0x60  }
0xae: {  	[dreg:$0x2] =	wrdreg s24  }
0xaf: {  	[dreg:$0x3] =	wrdreg s2  }
0xb0: {  	[dreg:$0x4] =	wrdreg $0x9  }
0xb1: {  	_ =	task.clear_ibuf [dreg:s7], $0x5FFFF;
	_ =	strace $0x90000046  }
0xb2: {  	s29 =	simm.s32 $0x9;
	_ =	strace $0x80000048  }
0xb3: {  	_ =	swait.ge [sflag:s29], $0x1  }
0xb4: {  	[sflag:s29] =	ssyncadd.s32 $0xFFFFFFFF  }
0xb5: {  	_ =	strace $0x90000048  }
0xb6: {  	_ =	sfence  }
0xb7: {  	s30 =	sld [smem:$0x0];
	_ =	sdelay $0x2  }
0xb8: {  	s31 =	sshll.u32 s1, $0xD;
	s1 =	sshrl.u32 s1, $0x2  }
0xb9: {  	s3 =	sand.u32 $0x4000, s31;
	s1 =	sadd.s32 s1, s30  }
0xba: {  	s0 =	sor.u32 s3, s0;
	s1 =	sshll.u32 s1, $0x11  }
0xbb: {  	s0 =	sor.u32 s1, s0  }
0xbc: {  	s0 =	sadd.s32 $0x8F2B, s0  }
0xbd: {  	[sflag:s0] =	ssyncadd.remote.s32 $0x1  }
0xbe: {  	_ =	sfence.sel $0xFFFF  }
0xbf: {  	[dreg:$0x0] =	wrdreg $0xFFFFFFFF;
	(pc) =	sbr.abs _section_cstart, $3  }
0xc0: {  	[dreg:$0x1] =	wrdreg $0xFFFFFFFF  }
0xc1: {  	_ =	task.clear_ibuf [dreg:s7], $0x2FFFF;
	_ =	strace $0x9FFFFFFF  }
0xc2: {  	(tm) =	ssettm $0x7FFFFFFF  }
0xc3: {  	_ =	shalt  }
tec
execute0_lowered:
.L_overlay_start_1:
0x0: {  	(tag) =	ssettag $0x1  }
0x1: {  	s0 =	rddreg [dreg:$0x0]  }
0x2: {  	s1 =	srdreg.scid;
	s3 =	stileid.u32  }
0x3: {  	s2 =	rddreg [dreg:$0x1];
	s11 =	simm.s32 $0x64;
	s18 =	simm.s32 $0xE500  }
0x4: {  	s19 =	simm.s32 $0xFE00;
	s20 =	simm.s32 $0x1;
	s21 =	simm.s32 $0x11700  }
0x5: {  	s22 =	simm.s32 $0x2;
	s23 =	simm.s32 $0x13000;
	s24 =	simm.s32 $0x3  }
0x6: {  	s28 =	simm.s32 $0x9;
	s29 =	simm.s32 $0x5;
	s30 =	simm.s32 $0xA  }
0x7: {  	s31 =	simm.s32 $0x6;
	s10 =	simm.s32 $0xC;
	s13 =	simm.s32 $0x8  }
0x8: {  	s8 =	simm.s32 $0x0;
	s1 =	sand.u32 $0x1, s1;
	s4 =	sshll.u32 s3, $0x1  }
0x9: {  	s3 =	simm.s32 $0x0;
	s5 =	sor.u32 s1, s4;
	s1 =	ssub.s32 $0x2, s1  }
0xa: {  	[smem:$0x7FF] =	sst s3;
	s4 =	smul.u32 $0xD00, s5;
	s6 =	sshrl.u32 s1, $0x1  }
0xb: {  	_ =	strace $0x80000047;
	s25 =	ssub.s32 s1, s6;
	s6 =	sshll.u32 s5, $0x8  }
0xc: {  	s7 =	sadd.s32 s4, s0;
	s4 =	sadd.s32 $0x1B200, s0;
	s0 =	sadd.s32 $0xA00, s0  }
0xd: {  	s1 =	simm.s32 $0xB;
	[dreg:$0x3] =	wrdreg s0;
	s26 =	sadd.s32 $0x1200, s7  }
0xe: {  	s0 =	smax.u32 s25, $0x1;
	s25 =	simm.s32 $0x14900;
	[dreg:$0x4] =	wrdreg s26  }
0xf: {  	[dreg:$0x5] =	wrdreg s0;
	s26 =	simm.s32 $0x4;
	s0 =	simm.s32 $0x7  }
.LBB2_1:
0x10: {  	[dreg:$0x6] =	wrdreg s8  }
0x11: {  	s5 =	rddreg [dreg:$0x4];
	s7 =	simm.s32 $0x11  }
0x12: {  	[tilespmem:s3], [sflag:$0x11] =	stream.linear.gather [hbm4b:s5+s3], $0x6800, $0x38;
	[tilespmem:$0x16200] =	vst v63  }
0x13: {  	_ =	swait.ge [sflag:s7], $0x6800  }
0x14: {  	[sflag:s7] =	ssyncset.done $0x0  }
0x15: {  	s17 =	simm.s32 $0x6800;
	s16 =	rddreg [dreg:$0x3];
	[sflag:s7] =	ssyncadd.s32 $0xFFFF9800  }
0x16: {  	[tilespmem:s17], [sflag:$0x11] =	stream.linear.gather [hbm4b:s16+s3], $0x3200, $0x38;
	[tilespmem:$0x16200] =	vst v63  }
0x17: {  	_ =	swait.ge [sflag:s7], $0x3200  }
0x18: {  	[sflag:s7] =	ssyncset.done $0x0  }
0x19: {  	s9 =	simm.s32 $0x9A00;
	[sflag:s7] =	ssyncadd.s32 $0xFFFFCE00  }
0x1a: {  	[tilespmem:s9], [sflag:$0x1] =	stream.indirect.gather [hbm4b:s4+s11], $0x40, s3, s11, $0xb8;
	[tilespmem:$0x16200] =	vst v63  }
0x1b: {  	s12 =	simm.s32 $0x68;
	s14 =	simm.s32 $0xB300  }
0x1c: {  	[tilespmem:s14], [sflag:$0x2] =	stream.indirect.gather [hbm4b:s4+s11], $0x40, s12, s11, $0xb8;
	[tilespmem:$0x16200] =	vst v63  }
0x1d: {  	s15 =	simm.s32 $0xD0;
	s16 =	simm.s32 $0xCC00  }
0x1e: {  	[tilespmem:s16], [sflag:$0x3] =	stream.indirect.gather [hbm4b:s4+s11], $0x40, s15, s11, $0xb8;
	[tilespmem:$0x16200] =	vst v63  }
0x1f: {  	s17 =	simm.s32 $0x138;
	s15 =	simm.s32 $0x0  }
0x20: {  	[tilespmem:s18], [sflag:$0x4] =	stream.indirect.gather [hbm4b:s4+s11], $0x40, s17, s11, $0xb8;
	[tilespmem:$0x16200] =	vst v63  }
.LBB2_2:
0x21: {  	s7 =	sshll.u32 s15, $0x3;
	p0 =	seq.s32 s15, $0x0  }
0x22: {  	s5 =	simm.s32 @!p0 $0xD;
	s17 =	sor.u32 $0x4, s7  }
0x23: {  	_ =	swait.ge @!p0 [sflag:s5], $0x1900;
	s8 =	smul.u32 $0x1A0, s17  }
0x24: {  	[sflag:s5] =	ssyncset.done @!p0 $0x0  }
0x25: {  	[sflag:s5] =	ssyncadd.s32 @!p0 $0xFFFFE700;
	s16 =	sshra.s32 s8, $0x2  }
0x26: {  	[tilespmem:s19], [sflag:$0x5] =	stream.indirect.gather [hbm4b:s4+s11], $0x40, s16, s11, $0xb8;
	[tilespmem:$0x16200] =	vst v63  }
0x27: {  	_ =	swait.ge [sflag:s20], $0x1900  }
0x28: {  	[sflag:s20] =	ssyncset.done $0x0  }
0x29: {  	s5 =	simm.s32 $0x0;
	[sflag:s20] =	ssyncadd.s32 $0xFFFFE700  }
0x2a: {  	v0 =	vld [tilespmem:s5+$0x6870]  }
0x2b: {  	v1 =	vld [tilespmem:s5+$0x6800]  }
0x2c: {  	v2 =	vld [tilespmem:s5+$0x6810]  }
0x2d: {  	v3 =	vld [tilespmem:s5+$0x6820]  }
0x2e: {  	v4 =	vld [tilespmem:s5+$0x6830]  }
0x2f: {  	v5 =	vld [tilespmem:s5+$0x6840]  }
0x30: {  	v6 =	vld [tilespmem:s5+$0x6850]  }
0x31: {  	[tilespmem:s5+$0x9A70] =	vst.add.f32.msk $0xffff, v0  }
0x32: {  	v0 =	vld [tilespmem:s5+$0x6860]  }
0x33: {  	[tilespmem:s5+$0x9A00] =	vst.add.f32.msk $0xffff, v1  }
0x34: {  	[tilespmem:s5+$0x9A10] =	vst.add.f32.msk $0xffff, v2  }
0x35: {  	[tilespmem:s5+$0x9A20] =	vst.add.f32.msk $0xffff, v3  }
0x36: {  	[tilespmem:s5+$0x9A30] =	vst.add.f32.msk $0xffff, v4  }
0x37: {  	[tilespmem:s5+$0x9A40] =	vst.add.f32.msk $0xffff, v5  }
0x38: {  	s9 =	simm.s32 $0x200;
	s8 =	simm.s32 $0x0;
	[tilespmem:s5+$0x9A50] =	vst.add.f32.msk $0xffff, v6  }
.LBB2_3:
0x39: {  	s8 =	sadd.s32 $0x2, s8;
	[tilespmem:s5+$0x9A60] =	vst.add.f32.msk $0xffff, v0;
	s5 =	sshra.s32 s9, $0x2  }
0x3a: {  	v0 =	vld [tilespmem:s5+$0x6870];
	p1 =	slt.u32 s8, $0x62  }
0x3b: {  	v1 =	vld [tilespmem:s5+$0x6800]  }
0x3c: {  	v2 =	vld [tilespmem:s5+$0x6810]  }
0x3d: {  	v3 =	vld [tilespmem:s5+$0x6820]  }
0x3e: {  	v4 =	vld [tilespmem:s5+$0x6830]  }
0x3f: {  	[tilespmem:s5+$0x9A70] =	vst.add.f32.msk $0xffff, v0  }
0x40: {  	v5 =	vld [tilespmem:s5+$0x6840]  }
0x41: {  	v6 =	vld [tilespmem:s5+$0x6850]  }
0x42: {  	v0 =	vld [tilespmem:s5+$0x6860]  }
0x43: {  	[tilespmem:s5+$0x9A00] =	vst.add.f32.msk $0xffff, v1  }
.Ltmp0:
0x44: {  	[tilespmem:s5+$0x9A10] =	vst.add.f32.msk $0xffff, v2;
	(pc) =	sbr.rel @p1 .LBB2_3-.Ltmp0, $4  }
0x45: {  	[tilespmem:s5+$0x9A20] =	vst.add.f32.msk $0xffff, v3  }
0x46: {  	[tilespmem:s5+$0x9A30] =	vst.add.f32.msk $0xffff, v4  }
0x47: {  	[tilespmem:s5+$0x9A40] =	vst.add.f32.msk $0xffff, v5  }
0x48: {  	s9 =	sadd.s32 $0x200, s9;
	[tilespmem:s5+$0x9A50] =	vst.add.f32.msk $0xffff, v6  }
0x49: {  	s8 =	sor.u32 s6, s7  }
0x4a: {  	s8 =	sshrl.u32 s8, $0x1  }
0x4b: {  	s9 =	smul.u32 $0x640, s8  }
0x4c: {  	s14 =	simm.s32 $0x9A00  }
0x4d: {  	[tilespmem:s5+$0x9A60] =	vst.add.f32.msk $0xffff, v0;
	s5 =	simm.s32 @!p0 $0xE;
	s12 =	sadd.s32 s2, s9;
	s9 =	sor.u32 $0x5, s7  }
0x4e: {  	[hbm4b:s12+s3] =	stream.linear.scatter [tilespmem:s14], [sflag:$0x9], $0x1900, $0x38;
	[tilespmem:$0x16200] =	vst v63  }
0x4f: {  	s12 =	smul.u32 $0x1A0, s9;
	_ =	swait.ge @!p0 [sflag:s5], $0x1900  }
0x50: {  	[sflag:s5] =	ssyncset.done @!p0 $0x0  }
0x51: {  	s16 =	sshra.s32 s12, $0x2;
	[sflag:s5] =	ssyncadd.s32 @!p0 $0xFFFFE700  }
0x52: {  	[tilespmem:s21], [sflag:$0x6] =	stream.indirect.gather [hbm4b:s4+s11], $0x40, s16, s11, $0xb8;
	[tilespmem:$0x16200] =	vst v63  }
0x53: {  	_ =	swait.ge [sflag:s22], $0x1900  }
0x54: {  	[sflag:s22] =	ssyncset.done $0x0  }
0x55: {  	s5 =	simm.s32 $0x0;
	[sflag:s22] =	ssyncadd.s32 $0xFFFFE700  }
0x56: {  	v0 =	vld [tilespmem:s5+$0x8170]  }
0x57: {  	v1 =	vld [tilespmem:s5+$0x8100]  }
0x58: {  	v2 =	vld [tilespmem:s5+$0x8110]  }
0x59: {  	v3 =	vld [tilespmem:s5+$0x8120]  }
0x5a: {  	v4 =	vld [tilespmem:s5+$0x8130]  }
0x5b: {  	v5 =	vld [tilespmem:s5+$0x8140]  }
0x5c: {  	v6 =	vld [tilespmem:s5+$0x8150]  }
0x5d: {  	[tilespmem:s5+$0xB370] =	vst.add.f32.msk $0xffff, v0  }
0x5e: {  	v0 =	vld [tilespmem:s5+$0x8160]  }
0x5f: {  	[tilespmem:s5+$0xB300] =	vst.add.f32.msk $0xffff, v1  }
0x60: {  	[tilespmem:s5+$0xB310] =	vst.add.f32.msk $0xffff, v2  }
0x61: {  	[tilespmem:s5+$0xB320] =	vst.add.f32.msk $0xffff, v3  }
0x62: {  	[tilespmem:s5+$0xB330] =	vst.add.f32.msk $0xffff, v4  }
0x63: {  	[tilespmem:s5+$0xB340] =	vst.add.f32.msk $0xffff, v5  }
0x64: {  	s14 =	simm.s32 $0x200;
	s12 =	simm.s32 $0x0;
	[tilespmem:s5+$0xB350] =	vst.add.f32.msk $0xffff, v6  }
.LBB2_5:
0x65: {  	s12 =	sadd.s32 $0x2, s12;
	[tilespmem:s5+$0xB360] =	vst.add.f32.msk $0xffff, v0;
	s5 =	sshra.s32 s14, $0x2  }
0x66: {  	v0 =	vld [tilespmem:s5+$0x8170];
	p1 =	slt.u32 s12, $0x62  }
0x67: {  	v1 =	vld [tilespmem:s5+$0x8100]  }
0x68: {  	v2 =	vld [tilespmem:s5+$0x8110]  }
0x69: {  	v3 =	vld [tilespmem:s5+$0x8120]  }
0x6a: {  	v4 =	vld [tilespmem:s5+$0x8130]  }
0x6b: {  	[tilespmem:s5+$0xB370] =	vst.add.f32.msk $0xffff, v0  }
0x6c: {  	v5 =	vld [tilespmem:s5+$0x8140]  }
0x6d: {  	v6 =	vld [tilespmem:s5+$0x8150]  }
0x6e: {  	v0 =	vld [tilespmem:s5+$0x8160]  }
0x6f: {  	[tilespmem:s5+$0xB300] =	vst.add.f32.msk $0xffff, v1  }
.Ltmp1:
0x70: {  	[tilespmem:s5+$0xB310] =	vst.add.f32.msk $0xffff, v2;
	(pc) =	sbr.rel @p1 .LBB2_5-.Ltmp1, $4  }
0x71: {  	[tilespmem:s5+$0xB320] =	vst.add.f32.msk $0xffff, v3  }
0x72: {  	[tilespmem:s5+$0xB330] =	vst.add.f32.msk $0xffff, v4  }
0x73: {  	[tilespmem:s5+$0xB340] =	vst.add.f32.msk $0xffff, v5  }
0x74: {  	s14 =	sadd.s32 $0x200, s14;
	[tilespmem:s5+$0xB350] =	vst.add.f32.msk $0xffff, v6  }
0x75: {  	s12 =	smul.u32 $0x3200, s8;
	_ =	sdelay $0x1  }
0x76: {  	s12 =	sshrl.u32 s12, $0x3  }
0x77: {  	s12 =	sadd.s32 s2, s12  }
0x78: {  	[tilespmem:s5+$0xB360] =	vst.add.f32.msk $0xffff, v0;
	s14 =	simm.s32 $0xB300;
	s12 =	sadd.s32 $0x320, s12  }
0x79: {  	[hbm4b:s12+s3] =	stream.linear.scatter [tilespmem:s14], [sflag:$0xA], $0x1900, $0x38;
	[tilespmem:$0x16200] =	vst v63  }
0x7a: {  	s5 =	sor.u32 $0x6, s7;
	s12 =	simm.s32 @!p0 $0xF  }
0x7b: {  	s14 =	smul.u32 $0x1A0, s5;
	_ =	swait.ge @!p0 [sflag:s12], $0x1900  }
0x7c: {  	[sflag:s12] =	ssyncset.done @!p0 $0x0  }
0x7d: {  	s16 =	sshra.s32 s14, $0x2;
	[sflag:s12] =	ssyncadd.s32 @!p0 $0xFFFFE700  }
0x7e: {  	[tilespmem:s23], [sflag:$0x7] =	stream.indirect.gather [hbm4b:s4+s11], $0x40, s16, s11, $0xb8;
	[tilespmem:$0x16200] =	vst v63  }
0x7f: {  	_ =	swait.ge [sflag:s24], $0x1900  }
0x80: {  	[sflag:s24] =	ssyncset.done $0x0  }
0x81: {  	s12 =	simm.s32 $0x0;
	[sflag:s24] =	ssyncadd.s32 $0xFFFFE700  }
0x82: {  	v0 =	vld [tilespmem:s12+$0x6870]  }
0x83: {  	v1 =	vld [tilespmem:s12+$0x6800]  }
0x84: {  	v2 =	vld [tilespmem:s12+$0x6810]  }
0x85: {  	v3 =	vld [tilespmem:s12+$0x6820]  }
0x86: {  	v4 =	vld [tilespmem:s12+$0x6830]  }
0x87: {  	v5 =	vld [tilespmem:s12+$0x6840]  }
0x88: {  	v6 =	vld [tilespmem:s12+$0x6850]  }
0x89: {  	[tilespmem:s12+$0xCC70] =	vst.add.f32.msk $0xffff, v0  }
0x8a: {  	v0 =	vld [tilespmem:s12+$0x6860]  }
0x8b: {  	[tilespmem:s12+$0xCC00] =	vst.add.f32.msk $0xffff, v1  }
0x8c: {  	[tilespmem:s12+$0xCC10] =	vst.add.f32.msk $0xffff, v2  }
0x8d: {  	[tilespmem:s12+$0xCC20] =	vst.add.f32.msk $0xffff, v3  }
0x8e: {  	[tilespmem:s12+$0xCC30] =	vst.add.f32.msk $0xffff, v4  }
0x8f: {  	[tilespmem:s12+$0xCC40] =	vst.add.f32.msk $0xffff, v5  }
0x90: {  	s14 =	simm.s32 $0x0;
	s16 =	simm.s32 $0x200;
	[tilespmem:s12+$0xCC50] =	vst.add.f32.msk $0xffff, v6  }
.LBB2_7:
0x91: {  	s14 =	sadd.s32 $0x2, s14;
	[tilespmem:s12+$0xCC60] =	vst.add.f32.msk $0xffff, v0;
	s12 =	sshra.s32 s16, $0x2  }
0x92: {  	v0 =	vld [tilespmem:s12+$0x6870];
	p1 =	slt.u32 s14, $0x62  }
0x93: {  	v1 =	vld [tilespmem:s12+$0x6800]  }
0x94: {  	v2 =	vld [tilespmem:s12+$0x6810]  }
0x95: {  	v3 =	vld [tilespmem:s12+$0x6820]  }
0x96: {  	v4 =	vld [tilespmem:s12+$0x6830]  }
0x97: {  	[tilespmem:s12+$0xCC70] =	vst.add.f32.msk $0xffff, v0  }
0x98: {  	v5 =	vld [tilespmem:s12+$0x6840]  }
0x99: {  	v6 =	vld [tilespmem:s12+$0x6850]  }
0x9a: {  	v0 =	vld [tilespmem:s12+$0x6860]  }
0x9b: {  	[tilespmem:s12+$0xCC00] =	vst.add.f32.msk $0xffff, v1  }
.Ltmp2:
0x9c: {  	[tilespmem:s12+$0xCC10] =	vst.add.f32.msk $0xffff, v2;
	(pc) =	sbr.rel @p1 .LBB2_7-.Ltmp2, $4  }
0x9d: {  	[tilespmem:s12+$0xCC20] =	vst.add.f32.msk $0xffff, v3  }
0x9e: {  	[tilespmem:s12+$0xCC30] =	vst.add.f32.msk $0xffff, v4  }
0x9f: {  	[tilespmem:s12+$0xCC40] =	vst.add.f32.msk $0xffff, v5  }
0xa0: {  	s16 =	sadd.s32 $0x200, s16;
	[tilespmem:s12+$0xCC50] =	vst.add.f32.msk $0xffff, v6  }
0xa1: {  	s8 =	sor.u32 $0x1, s8  }
0xa2: {  	s14 =	smul.u32 $0x640, s8  }
0xa3: {  	s16 =	simm.s32 $0xCC00  }
0xa4: {  	[tilespmem:s12+$0xCC60] =	vst.add.f32.msk $0xffff, v0;
	s12 =	simm.s32 @!p0 $0x10;
	s7 =	sor.u32 $0x7, s7;
	s14 =	sadd.s32 s2, s14  }
0xa5: {  	[hbm4b:s14+s3] =	stream.linear.scatter [tilespmem:s16], [sflag:$0xB], $0x1900, $0x38;
	[tilespmem:$0x16200] =	vst v63  }
0xa6: {  	s16 =	smul.u32 $0x1A0, s7;
	_ =	swait.ge @!p0 [sflag:s12], $0x1900  }
0xa7: {  	[sflag:s12] =	ssyncset.done @!p0 $0x0  }
0xa8: {  	s16 =	sshra.s32 s16, $0x2;
	[sflag:s12] =	ssyncadd.s32 @!p0 $0xFFFFE700  }
0xa9: {  	[tilespmem:s25], [sflag:$0x8] =	stream.indirect.gather [hbm4b:s4+s11], $0x40, s16, s11, $0xb8;
	[tilespmem:$0x16200] =	vst v63  }
0xaa: {  	_ =	swait.ge [sflag:s26], $0x1900  }
0xab: {  	[sflag:s26] =	ssyncset.done $0x0  }
0xac: {  	s12 =	simm.s32 $0x0;
	[sflag:s26] =	ssyncadd.s32 $0xFFFFE700  }
0xad: {  	v0 =	vld [tilespmem:s12+$0x8170]  }
0xae: {  	v1 =	vld [tilespmem:s12+$0x8100]  }
0xaf: {  	v2 =	vld [tilespmem:s12+$0x8110]  }
0xb0: {  	v3 =	vld [tilespmem:s12+$0x8120]  }
0xb1: {  	v4 =	vld [tilespmem:s12+$0x8130]  }
0xb2: {  	v5 =	vld [tilespmem:s12+$0x8140]  }
0xb3: {  	v6 =	vld [tilespmem:s12+$0x8150]  }
0xb4: {  	[tilespmem:s12+$0xE570] =	vst.add.f32.msk $0xffff, v0  }
0xb5: {  	v0 =	vld [tilespmem:s12+$0x8160]  }
0xb6: {  	[tilespmem:s12+$0xE500] =	vst.add.f32.msk $0xffff, v1  }
0xb7: {  	[tilespmem:s12+$0xE510] =	vst.add.f32.msk $0xffff, v2  }
0xb8: {  	[tilespmem:s12+$0xE520] =	vst.add.f32.msk $0xffff, v3  }
0xb9: {  	[tilespmem:s12+$0xE530] =	vst.add.f32.msk $0xffff, v4  }
0xba: {  	[tilespmem:s12+$0xE540] =	vst.add.f32.msk $0xffff, v5  }
0xbb: {  	s14 =	simm.s32 $0x0;
	s16 =	simm.s32 $0x200;
	[tilespmem:s12+$0xE550] =	vst.add.f32.msk $0xffff, v6  }
.LBB2_9:
0xbc: {  	s14 =	sadd.s32 $0x2, s14;
	[tilespmem:s12+$0xE560] =	vst.add.f32.msk $0xffff, v0;
	s12 =	sshra.s32 s16, $0x2  }
0xbd: {  	v0 =	vld [tilespmem:s12+$0x8170];
	p0 =	slt.u32 s14, $0x62  }
0xbe: {  	v1 =	vld [tilespmem:s12+$0x8100]  }
0xbf: {  	v2 =	vld [tilespmem:s12+$0x8110]  }
0xc0: {  	v3 =	vld [tilespmem:s12+$0x8120]  }
0xc1: {  	v4 =	vld [tilespmem:s12+$0x8130]  }
0xc2: {  	[tilespmem:s12+$0xE570] =	vst.add.f32.msk $0xffff, v0  }
0xc3: {  	v5 =	vld [tilespmem:s12+$0x8140]  }
0xc4: {  	v6 =	vld [tilespmem:s12+$0x8150]  }
0xc5: {  	v0 =	vld [tilespmem:s12+$0x8160]  }
0xc6: {  	[tilespmem:s12+$0xE500] =	vst.add.f32.msk $0xffff, v1  }
.Ltmp3:
0xc7: {  	[tilespmem:s12+$0xE510] =	vst.add.f32.msk $0xffff, v2;
	(pc) =	sbr.rel @p0 .LBB2_9-.Ltmp3, $4  }
0xc8: {  	[tilespmem:s12+$0xE520] =	vst.add.f32.msk $0xffff, v3  }
0xc9: {  	[tilespmem:s12+$0xE530] =	vst.add.f32.msk $0xffff, v4  }
0xca: {  	[tilespmem:s12+$0xE540] =	vst.add.f32.msk $0xffff, v5  }
0xcb: {  	s16 =	sadd.s32 $0x200, s16;
	[tilespmem:s12+$0xE550] =	vst.add.f32.msk $0xffff, v6  }
0xcc: {  	s8 =	smul.u32 $0x3200, s8;
	_ =	sdelay $0x1  }
0xcd: {  	s8 =	sshrl.u32 s8, $0x3  }
0xce: {  	s8 =	sadd.s32 s2, s8  }
0xcf: {  	[tilespmem:s12+$0xE560] =	vst.add.f32.msk $0xffff, v0;
	p0 =	seq.s32 s15, $0x1F;
	s8 =	sadd.s32 $0x320, s8  }
0xd0: {  	[hbm4b:s8+s3] =	stream.linear.scatter [tilespmem:s18], [sflag:$0xC], $0x1900, $0x38;
	[tilespmem:$0x16200] =	vst v63  }
0xd1: {  	s8 =	smul.u32 @!p0 $0xD00, s15  }
0xd2: {  	_ =	swait.ge [sflag:s28], $0x1900  }
0xd3: {  	s14 =	simm.s32 @!p0 $0x64;
	[sflag:s28] =	ssyncset.done $0x0;
	s8 =	sshra.s32 @!p0 s8, $0x2  }
0xd4: {  	s16 =	simm.s32 @!p0 $0x9A00;
	[sflag:s28] =	ssyncadd.s32 $0xFFFFE700;
	s12 =	sadd.s32 @!p0 $0x340, s8  }
0xd5: {  	[tilespmem:s16], [sflag:$0x1] =	stream.indirect.gather @!p0 [hbm4b:s4+s14], $0x40, s12, s14, $0xb8;
	[tilespmem:$0x16200] =	vst v63  }
0xd6: {  	_ =	swait.ge [sflag:s29], $0x1900  }
0xd7: {  	[sflag:s29] =	ssyncset.done $0x0  }
0xd8: {  	s12 =	simm.s32 $0x0;
	[sflag:s29] =	ssyncadd.s32 $0xFFFFE700  }
0xd9: {  	v0 =	vld [tilespmem:s12+$0x6870]  }
0xda: {  	v1 =	vld [tilespmem:s12+$0x6800]  }
0xdb: {  	v2 =	vld [tilespmem:s12+$0x6810]  }
0xdc: {  	v3 =	vld [tilespmem:s12+$0x6820]  }
0xdd: {  	v4 =	vld [tilespmem:s12+$0x6830]  }
0xde: {  	v5 =	vld [tilespmem:s12+$0x6840]  }
0xdf: {  	v6 =	vld [tilespmem:s12+$0x6850]  }
0xe0: {  	[tilespmem:s12+$0xFE70] =	vst.add.f32.msk $0xffff, v0  }
0xe1: {  	v0 =	vld [tilespmem:s12+$0x6860]  }
0xe2: {  	[tilespmem:s12+$0xFE00] =	vst.add.f32.msk $0xffff, v1  }
0xe3: {  	[tilespmem:s12+$0xFE10] =	vst.add.f32.msk $0xffff, v2  }
0xe4: {  	[tilespmem:s12+$0xFE20] =	vst.add.f32.msk $0xffff, v3  }
0xe5: {  	[tilespmem:s12+$0xFE30] =	vst.add.f32.msk $0xffff, v4  }
0xe6: {  	[tilespmem:s12+$0xFE40] =	vst.add.f32.msk $0xffff, v5  }
0xe7: {  	s14 =	simm.s32 $0x0;
	s16 =	simm.s32 $0x200;
	[tilespmem:s12+$0xFE50] =	vst.add.f32.msk $0xffff, v6  }
.LBB2_11:
0xe8: {  	s14 =	sadd.s32 $0x2, s14;
	[tilespmem:s12+$0xFE60] =	vst.add.f32.msk $0xffff, v0;
	s12 =	sshra.s32 s16, $0x2  }
0xe9: {  	v0 =	vld [tilespmem:s12+$0x6870];
	p1 =	slt.u32 s14, $0x62  }
0xea: {  	v1 =	vld [tilespmem:s12+$0x6800]  }
0xeb: {  	v2 =	vld [tilespmem:s12+$0x6810]  }
0xec: {  	v3 =	vld [tilespmem:s12+$0x6820]  }
0xed: {  	v4 =	vld [tilespmem:s12+$0x6830]  }
0xee: {  	[tilespmem:s12+$0xFE70] =	vst.add.f32.msk $0xffff, v0  }
0xef: {  	v5 =	vld [tilespmem:s12+$0x6840]  }
0xf0: {  	v6 =	vld [tilespmem:s12+$0x6850]  }
0xf1: {  	v0 =	vld [tilespmem:s12+$0x6860]  }
0xf2: {  	[tilespmem:s12+$0xFE00] =	vst.add.f32.msk $0xffff, v1  }
.Ltmp4:
0xf3: {  	[tilespmem:s12+$0xFE10] =	vst.add.f32.msk $0xffff, v2;
	(pc) =	sbr.rel @p1 .LBB2_11-.Ltmp4, $4  }
0xf4: {  	[tilespmem:s12+$0xFE20] =	vst.add.f32.msk $0xffff, v3  }
0xf5: {  	[tilespmem:s12+$0xFE30] =	vst.add.f32.msk $0xffff, v4  }
0xf6: {  	[tilespmem:s12+$0xFE40] =	vst.add.f32.msk $0xffff, v5  }
0xf7: {  	s16 =	sadd.s32 $0x200, s16;
	[tilespmem:s12+$0xFE50] =	vst.add.f32.msk $0xffff, v6  }
0xf8: {  	s14 =	sor.u32 s6, s17  }
0xf9: {  	s14 =	sshrl.u32 s14, $0x1  }
0xfa: {  	s14 =	smul.u32 $0x640, s14;
	_ =	sdelay $0x1  }
0xfb: {  	[tilespmem:s12+$0xFE60] =	vst.add.f32.msk $0xffff, v0;
	s17 =	sadd.s32 s2, s14  }
0xfc: {  	[hbm4b:s17+s3] =	stream.linear.scatter [tilespmem:s19], [sflag:$0xD], $0x1900, $0x38;
	[tilespmem:$0x16200] =	vst v63  }
0xfd: {  	_ =	swait.ge [sflag:s30], $0x1900  }
0xfe: {  	s12 =	sadd.s32 @!p0 $0x3A8, s8;
	[sflag:s30] =	ssyncset.done $0x0  }
0xff: {  	s16 =	simm.s32 @!p0 $0xB300;
	s14 =	simm.s32 @!p0 $0x64;
	[sflag:s30] =	ssyncadd.s32 $0xFFFFE700  }
0x100: {  	[tilespmem:s16], [sflag:$0x2] =	stream.indirect.gather @!p0 [hbm4b:s4+s14], $0x40, s12, s14, $0xb8;
	[tilespmem:$0x16200] =	vst v63  }
0x101: {  	_ =	swait.ge [sflag:s31], $0x1900  }
0x102: {  	[sflag:s31] =	ssyncset.done $0x0  }
0x103: {  	s17 =	simm.s32 $0x0;
	[sflag:s31] =	ssyncadd.s32 $0xFFFFE700  }
0x104: {  	v0 =	vld [tilespmem:s17+$0x8170]  }
0x105: {  	v1 =	vld [tilespmem:s17+$0x8100]  }
0x106: {  	v2 =	vld [tilespmem:s17+$0x8110]  }
0x107: {  	v3 =	vld [tilespmem:s17+$0x8120]  }
0x108: {  	v4 =	vld [tilespmem:s17+$0x8130]  }
0x109: {  	v5 =	vld [tilespmem:s17+$0x8140]  }
0x10a: {  	v6 =	vld [tilespmem:s17+$0x8150]  }
0x10b: {  	[tilespmem:s17+$0x11770] =	vst.add.f32.msk $0xffff, v0  }
0x10c: {  	v0 =	vld [tilespmem:s17+$0x8160]  }
0x10d: {  	[tilespmem:s17+$0x11700] =	vst.add.f32.msk $0xffff, v1  }
0x10e: {  	[tilespmem:s17+$0x11710] =	vst.add.f32.msk $0xffff, v2  }
0x10f: {  	[tilespmem:s17+$0x11720] =	vst.add.f32.msk $0xffff, v3  }
0x110: {  	[tilespmem:s17+$0x11730] =	vst.add.f32.msk $0xffff, v4  }
0x111: {  	[tilespmem:s17+$0x11740] =	vst.add.f32.msk $0xffff, v5  }
0x112: {  	s12 =	simm.s32 $0x0;
	s14 =	simm.s32 $0x200;
	[tilespmem:s17+$0x11750] =	vst.add.f32.msk $0xffff, v6  }
.LBB2_13:
0x113: {  	s12 =	sadd.s32 $0x2, s12;
	[tilespmem:s17+$0x11760] =	vst.add.f32.msk $0xffff, v0;
	s17 =	sshra.s32 s14, $0x2  }
0x114: {  	v0 =	vld [tilespmem:s17+$0x8170];
	p1 =	slt.u32 s12, $0x62  }
0x115: {  	v1 =	vld [tilespmem:s17+$0x8100]  }
0x116: {  	v2 =	vld [tilespmem:s17+$0x8110]  }
0x117: {  	v3 =	vld [tilespmem:s17+$0x8120]  }
0x118: {  	v4 =	vld [tilespmem:s17+$0x8130]  }
0x119: {  	[tilespmem:s17+$0x11770] =	vst.add.f32.msk $0xffff, v0  }
0x11a: {  	v5 =	vld [tilespmem:s17+$0x8140]  }
0x11b: {  	v6 =	vld [tilespmem:s17+$0x8150]  }
0x11c: {  	v0 =	vld [tilespmem:s17+$0x8160]  }
0x11d: {  	[tilespmem:s17+$0x11700] =	vst.add.f32.msk $0xffff, v1  }
.Ltmp5:
0x11e: {  	[tilespmem:s17+$0x11710] =	vst.add.f32.msk $0xffff, v2;
	(pc) =	sbr.rel @p1 .LBB2_13-.Ltmp5, $4  }
0x11f: {  	[tilespmem:s17+$0x11720] =	vst.add.f32.msk $0xffff, v3  }
0x120: {  	[tilespmem:s17+$0x11730] =	vst.add.f32.msk $0xffff, v4  }
0x121: {  	[tilespmem:s17+$0x11740] =	vst.add.f32.msk $0xffff, v5  }
0x122: {  	s14 =	sadd.s32 $0x200, s14;
	[tilespmem:s17+$0x11750] =	vst.add.f32.msk $0xffff, v6  }
0x123: {  	s9 =	sor.u32 s6, s9  }
0x124: {  	s9 =	sshrl.u32 s9, $0x1  }
0x125: {  	s9 =	smul.u32 $0x3200, s9;
	_ =	sdelay $0x1  }
0x126: {  	s9 =	sshrl.u32 s9, $0x3  }
0x127: {  	s9 =	sadd.s32 s2, s9  }
0x128: {  	[tilespmem:s17+$0x11760] =	vst.add.f32.msk $0xffff, v0;
	s9 =	sadd.s32 $0x320, s9  }
0x129: {  	[hbm4b:s9+s3] =	stream.linear.scatter [tilespmem:s21], [sflag:$0xE], $0x1900, $0x38;
	[tilespmem:$0x16200] =	vst v63  }
0x12a: {  	_ =	swait.ge [sflag:s1], $0x1900  }
0x12b: {  	s12 =	simm.s32 @!p0 $0x64;
	[sflag:s1] =	ssyncset.done $0x0  }
0x12c: {  	s14 =	simm.s32 @!p0 $0xCC00;
	s9 =	sadd.s32 @!p0 $0x410, s8;
	[sflag:s1] =	ssyncadd.s32 $0xFFFFE700  }
0x12d: {  	[tilespmem:s14], [sflag:$0x3] =	stream.indirect.gather @!p0 [hbm4b:s4+s12], $0x40, s9, s12, $0xb8;
	[tilespmem:$0x16200] =	vst v63  }
0x12e: {  	_ =	swait.ge [sflag:s0], $0x1900  }
0x12f: {  	[sflag:s0] =	ssyncset.done $0x0  }
0x130: {  	s9 =	simm.s32 $0x0;
	[sflag:s0] =	ssyncadd.s32 $0xFFFFE700  }
0x131: {  	v0 =	vld [tilespmem:s9+$0x6870]  }
0x132: {  	v1 =	vld [tilespmem:s9+$0x6800]  }
0x133: {  	v2 =	vld [tilespmem:s9+$0x6810]  }
0x134: {  	v3 =	vld [tilespmem:s9+$0x6820]  }
0x135: {  	v4 =	vld [tilespmem:s9+$0x6830]  }
0x136: {  	v5 =	vld [tilespmem:s9+$0x6840]  }
0x137: {  	v6 =	vld [tilespmem:s9+$0x6850]  }
0x138: {  	[tilespmem:s9+$0x13070] =	vst.add.f32.msk $0xffff, v0  }
0x139: {  	v0 =	vld [tilespmem:s9+$0x6860]  }
0x13a: {  	[tilespmem:s9+$0x13000] =	vst.add.f32.msk $0xffff, v1  }
0x13b: {  	[tilespmem:s9+$0x13010] =	vst.add.f32.msk $0xffff, v2  }
0x13c: {  	[tilespmem:s9+$0x13020] =	vst.add.f32.msk $0xffff, v3  }
0x13d: {  	[tilespmem:s9+$0x13030] =	vst.add.f32.msk $0xffff, v4  }
0x13e: {  	[tilespmem:s9+$0x13040] =	vst.add.f32.msk $0xffff, v5  }
0x13f: {  	s12 =	simm.s32 $0x0;
	s14 =	simm.s32 $0x200;
	[tilespmem:s9+$0x13050] =	vst.add.f32.msk $0xffff, v6  }
.LBB2_15:
0x140: {  	s12 =	sadd.s32 $0x2, s12;
	[tilespmem:s9+$0x13060] =	vst.add.f32.msk $0xffff, v0;
	s9 =	sshra.s32 s14, $0x2  }
0x141: {  	v0 =	vld [tilespmem:s9+$0x6870];
	p1 =	slt.u32 s12, $0x62  }
0x142: {  	v1 =	vld [tilespmem:s9+$0x6800]  }
0x143: {  	v2 =	vld [tilespmem:s9+$0x6810]  }
0x144: {  	v3 =	vld [tilespmem:s9+$0x6820]  }
0x145: {  	v4 =	vld [tilespmem:s9+$0x6830]  }
0x146: {  	[tilespmem:s9+$0x13070] =	vst.add.f32.msk $0xffff, v0  }
0x147: {  	v5 =	vld [tilespmem:s9+$0x6840]  }
0x148: {  	v6 =	vld [tilespmem:s9+$0x6850]  }
0x149: {  	v0 =	vld [tilespmem:s9+$0x6860]  }
0x14a: {  	[tilespmem:s9+$0x13000] =	vst.add.f32.msk $0xffff, v1  }
.Ltmp6:
0x14b: {  	[tilespmem:s9+$0x13010] =	vst.add.f32.msk $0xffff, v2;
	(pc) =	sbr.rel @p1 .LBB2_15-.Ltmp6, $4  }
0x14c: {  	[tilespmem:s9+$0x13020] =	vst.add.f32.msk $0xffff, v3  }
0x14d: {  	[tilespmem:s9+$0x13030] =	vst.add.f32.msk $0xffff, v4  }
0x14e: {  	[tilespmem:s9+$0x13040] =	vst.add.f32.msk $0xffff, v5  }
0x14f: {  	s14 =	sadd.s32 $0x200, s14;
	[tilespmem:s9+$0x13050] =	vst.add.f32.msk $0xffff, v6  }
0x150: {  	s5 =	sor.u32 s6, s5  }
0x151: {  	s5 =	sshrl.u32 s5, $0x1  }
0x152: {  	s5 =	smul.u32 $0x640, s5;
	_ =	sdelay $0x1  }
0x153: {  	[tilespmem:s9+$0x13060] =	vst.add.f32.msk $0xffff, v0;
	s5 =	sadd.s32 s2, s5  }
0x154: {  	[hbm4b:s5+s3] =	stream.linear.scatter [tilespmem:s23], [sflag:$0xF], $0x1900, $0x38;
	[tilespmem:$0x16200] =	vst v63  }
0x155: {  	_ =	swait.ge [sflag:s10], $0x1900  }
0x156: {  	s9 =	simm.s32 @!p0 $0xE500;
	[sflag:s10] =	ssyncset.done $0x0  }
0x157: {  	s5 =	sadd.s32 @!p0 $0x478, s8;
	s8 =	simm.s32 @!p0 $0x64;
	[sflag:s10] =	ssyncadd.s32 $0xFFFFE700  }
0x158: {  	[tilespmem:s9], [sflag:$0x4] =	stream.indirect.gather @!p0 [hbm4b:s4+s8], $0x40, s5, s8, $0xb8;
	[tilespmem:$0x16200] =	vst v63  }
0x159: {  	_ =	swait.ge [sflag:s13], $0x1900  }
0x15a: {  	[sflag:s13] =	ssyncset.done $0x0  }
0x15b: {  	s5 =	simm.s32 $0x0;
	[sflag:s13] =	ssyncadd.s32 $0xFFFFE700  }
0x15c: {  	v0 =	vld [tilespmem:s5+$0x8170]  }
0x15d: {  	v1 =	vld [tilespmem:s5+$0x8100]  }
0x15e: {  	v2 =	vld [tilespmem:s5+$0x8110]  }
0x15f: {  	v3 =	vld [tilespmem:s5+$0x8120]  }
0x160: {  	v4 =	vld [tilespmem:s5+$0x8130]  }
0x161: {  	v5 =	vld [tilespmem:s5+$0x8140]  }
0x162: {  	v6 =	vld [tilespmem:s5+$0x8150]  }
0x163: {  	[tilespmem:s5+$0x14970] =	vst.add.f32.msk $0xffff, v0  }
0x164: {  	v0 =	vld [tilespmem:s5+$0x8160]  }
0x165: {  	[tilespmem:s5+$0x14900] =	vst.add.f32.msk $0xffff, v1  }
0x166: {  	[tilespmem:s5+$0x14910] =	vst.add.f32.msk $0xffff, v2  }
0x167: {  	[tilespmem:s5+$0x14920] =	vst.add.f32.msk $0xffff, v3  }
0x168: {  	[tilespmem:s5+$0x14930] =	vst.add.f32.msk $0xffff, v4  }
0x169: {  	[tilespmem:s5+$0x14940] =	vst.add.f32.msk $0xffff, v5  }
0x16a: {  	s8 =	simm.s32 $0x0;
	s9 =	simm.s32 $0x200;
	[tilespmem:s5+$0x14950] =	vst.add.f32.msk $0xffff, v6  }
.LBB2_17:
0x16b: {  	s8 =	sadd.s32 $0x2, s8;
	[tilespmem:s5+$0x14960] =	vst.add.f32.msk $0xffff, v0;
	s5 =	sshra.s32 s9, $0x2  }
0x16c: {  	v0 =	vld [tilespmem:s5+$0x8170];
	p0 =	slt.u32 s8, $0x62  }
0x16d: {  	v1 =	vld [tilespmem:s5+$0x8100]  }
0x16e: {  	v2 =	vld [tilespmem:s5+$0x8110]  }
0x16f: {  	v3 =	vld [tilespmem:s5+$0x8120]  }
0x170: {  	v4 =	vld [tilespmem:s5+$0x8130]  }
0x171: {  	[tilespmem:s5+$0x14970] =	vst.add.f32.msk $0xffff, v0  }
0x172: {  	v5 =	vld [tilespmem:s5+$0x8140]  }
0x173: {  	v6 =	vld [tilespmem:s5+$0x8150]  }
0x174: {  	v0 =	vld [tilespmem:s5+$0x8160]  }
0x175: {  	[tilespmem:s5+$0x14900] =	vst.add.f32.msk $0xffff, v1  }
.Ltmp7:
0x176: {  	[tilespmem:s5+$0x14910] =	vst.add.f32.msk $0xffff, v2;
	(pc) =	sbr.rel @p0 .LBB2_17-.Ltmp7, $4  }
0x177: {  	[tilespmem:s5+$0x14920] =	vst.add.f32.msk $0xffff, v3  }
0x178: {  	[tilespmem:s5+$0x14930] =	vst.add.f32.msk $0xffff, v4  }
0x179: {  	[tilespmem:s5+$0x14940] =	vst.add.f32.msk $0xffff, v5  }
0x17a: {  	s9 =	sadd.s32 $0x200, s9;
	[tilespmem:s5+$0x14950] =	vst.add.f32.msk $0xffff, v6  }
0x17b: {  	s7 =	sor.u32 s6, s7  }
0x17c: {  	s15 =	sadd.s32 $0x1, s15;
	s7 =	sshrl.u32 s7, $0x1  }
0x17d: {  	p0 =	sne.s32 s15, $0x20;
	s7 =	smul.u32 $0x3200, s7  }
.Ltmp8:
0x17e: {  	_ = 	snop;
	(pc) =	sbr.rel @p0 .LBB2_2-.Ltmp8, $4  }
0x17f: {  	s7 =	sshrl.u32 s7, $0x3  }
0x180: {  	s7 =	sadd.s32 s2, s7  }
0x181: {  	[tilespmem:s5+$0x14960] =	vst.add.f32.msk $0xffff, v0;
	s17 =	sadd.s32 $0x320, s7  }
0x182: {  	[hbm4b:s17+s3] =	stream.linear.scatter [tilespmem:s25], [sflag:$0x10], $0x1900, $0x38;
	[tilespmem:$0x16200] =	vst v63  }
0x183: {  	s5 =	simm.s32 $0xD  }
0x184: {  	_ =	swait.ge [sflag:s5], $0x1900  }
0x185: {  	[sflag:s5] =	ssyncset.done $0x0  }
0x186: {  	s15 =	simm.s32 $0xE;
	[sflag:s5] =	ssyncadd.s32 $0xFFFFE700  }
0x187: {  	_ =	swait.ge [sflag:s15], $0x1900  }
0x188: {  	[sflag:s15] =	ssyncset.done $0x0  }
0x189: {  	s16 =	simm.s32 $0xF;
	[sflag:s15] =	ssyncadd.s32 $0xFFFFE700  }
0x18a: {  	_ =	swait.ge [sflag:s16], $0x1900  }
0x18b: {  	[sflag:s16] =	ssyncset.done $0x0  }
0x18c: {  	s7 =	simm.s32 $0x10;
	[sflag:s16] =	ssyncadd.s32 $0xFFFFE700  }
0x18d: {  	_ =	swait.ge [sflag:s7], $0x1900  }
0x18e: {  	s8 =	rddreg [dreg:$0x6]  }
0x18f: {  	s17 =	rddreg [dreg:$0x5];
	s8 =	sadd.s32 $0x1, s8  }
0x190: {  	p0 =	sne.s32 s8, s17  }
.Ltmp9:
0x191: {  	_ = 	snop;
	(pc) =	sbr.rel @p0 .LBB2_1-.Ltmp9, $3  }
0x192: {  	_ =	sdelay $0x1  }
0x193: {  	[sflag:s7] =	ssyncset.done $0x0  }
0x194: {  	[sflag:s7] =	ssyncadd.s32 $0xFFFFE700  }
0x195: {  	_ =	sfence.sel $0x180000  }
0x196: {  	[bflag:$0x0] =	sbarrier.arrive $0xFFFF  }
0x197: {  	_ =	strace $0x90000047  }
0x198: {  	s0 =	stileid.u32;
	[bflag:$0x2] =	sbarrier.arrive $0xFFFF  }
0x199: {  	p0 =	sne.s32 s0, $0x0;
	s0 =	rddreg [dreg:$0x2]  }
0x19a: {  	s0 =	sadd.s32 @!p0 $0x100000, s0  }
0x19b: {  	[sflag:s0] =	ssyncadd.tile.s32 @!p0 $0x1;
	_ =	shalt  }
.Lfunc_end2:
_tile_overlayer_lowered:
.L_overlay_start_2:
0x19c: {  	(tag) =	ssettag $0x2  }
0x19d: {  	s0 =	rddreg [dreg:$0x0];
	s2 =	stileid.u32  }
0x19e: {  	s1 =	rddreg [dreg:$0x1];
	p0 =	sne.s32 s2, $0x0  }
0x19f: {  	s3 =	rddreg [dreg:$0x2];
	[bflag:$0x3] =	sbarrier.arrive $0xFFFF;
	s2 =	simm.s32 @!p0 $0x1C11  }
0x1a0: {  	[timem:s3], [sflag:s2] =	dma.local @!p0 [hbm:s0], s1  }
0x1a1: {  	s0 =	simm.s32 @!p0 $0x11  }
0x1a2: {  	_ =	swait.ge @!p0 [sflag:s0], s1  }
0x1a3: {  	s1 =	ssub.s32 @!p0 $0x0, s1;
	[sflag:s0] =	ssyncset.done @!p0 $0x0  }
0x1a4: {  	[sflag:s0] =	ssyncadd.s32 @!p0 s1  }
0x1a5: {  	[bflag:$0x3] =	sbarrier.arrive $0xFFFF  }
0x1a6: {  	_ =	shalt  }

// kernel: sparse-core-data-format-call.cloned.1.call-start
scs
called_computation_lowered:
.L_overlay_start_0:
0x0: {  	s2 =	sld [smem:$0x3FD9]  }
0x1: {  	s3 =	sld [smem:$0x3FFE];
	_ =	sdelay $0x1  }
0x2: {  	s1 =	srdreg.scid  }
0x3: {  	s0 =	sand.u32 $0x1, s1  }
0x4: {  	s18 =	sshll.u32 s0, $0xA;
	s2 =	sadd.s32 s3, s2  }
0x5: {  	s2 =	sadd.s32 s2, s18  }
0x6: {  	[smem:$0x3FC5] =	sst s2  }
0x7: {  	_ = 	snop  }
0x8: {  	s2 =	sld [smem:$0x3FD0];
	(tm) =	ssettm $0x1  }
0x9: {  	s19 =	sld [smem:$0x3FFB];
	_ =	sdelay $0x3  }
0xa: {  	_ =	strace s19  }
0xb: {  	s3 =	sld [smem:$0x3FFC];
	_ =	sdelay $0x3  }
0xc: {  	_ =	strace s3  }
0xd: {  	s3 =	sld [smem:$0x3FFD];
	_ =	sdelay $0x3  }
0xe: {  	_ =	strace s3  }
0xf: {  	_ =	strace $0x8FFFFFFF  }
0x10: {  	s20 =	sld [smem:$0x3FDB];
	_ =	sdelay $0x1  }
0x11: {  	s4 =	simm.s32 $_scs_section_size  }
0x12: {  	s5 =	simm.s32 $_size__tile_overlayer_lowered;
	s6 =	simm.s32 $_tile_overlayer_lowered  }
0x13: {  	s23 =	simm.s32 $0x1BFF;
	s22 =	sshll.u32 s6, $0x1;
	s3 =	sadd.s32 s4, s20  }
0x14: {  	s7 =	simm.s32 $0x0;
	s21 =	sshll.u32 s5, $0x1;
	s5 =	sadd.s32 s22, s3  }
0x15: {  	[timem:s7], [sflag:s23] =	dma.local [hbm:s5], s21  }
0x16: {  	_ =	swait.ge [sflag:s23], s21  }
0x17: {  	s4 =	ssub.s32 $0x0, s21;
	[sflag:s23] =	ssyncset.done $0x0  }
0x18: {  	[sflag:s23] =	ssyncadd.s32 s4;
	_ =	sdelay $0x1  }
0x19: {  	s24 =	simm.s32 $0x1B8B  }
0x1a: {  	_ =	swait.ge [sflag:s24], $0x1  }
0x1b: {  	[sflag:s24] =	ssyncset.done $0x0  }
0x1c: {  	s26 =	simm.s32 $0x1B8E;
	s25 =	sld [smem:$0x3FFE];
	[sflag:s24] =	ssyncadd.s32 $0xFFFFFFFF  }
0x1d: {  	s27 =	simm.s32 $execute0_lowered;
	[smem:$0x3FD2] =	sst s26  }
0x1e: {  	s5 =	sshll.u32 s27, $0x1;
	_ =	strace $0x80000049;
	[dreg:$0x1] =	wrdreg $0xFFFFFFFF  }
0x1f: {  	s28 =	simm.s32 $_size_execute0_lowered;
	s3 =	sadd.s32 s3, s5;
	[dreg:$0x0] =	wrdreg $0x0  }
0x20: {  	s5 =	sshll.u32 s28, $0x1;
	[dreg:$0x2] =	wrdreg s3  }
0x21: {  	[dreg:$0x3] =	wrdreg s5  }
0x22: {  	[dreg:$0x4] =	wrdreg $0xC0  }
0x23: {  	_ =	task [dreg:s7], $0x5FFFF  }
0x24: {  	[dreg:$0x1] =	wrdreg $0xFFFFFFFF  }
0x25: {  	[dreg:$0x0] =	wrdreg $0x60  }
0x26: {  	[dreg:$0x2] =	wrdreg s25  }
0x27: {  	[dreg:$0x3] =	wrdreg s2  }
0x28: {  	[dreg:$0x4] =	wrdreg $0x9  }
0x29: {  	_ =	task.clear_ibuf [dreg:s7], $0x5FFFF;
	_ =	strace $0x90000049  }
0x2a: {  	s29 =	simm.s32 $0x9;
	_ =	strace $0x8000004B  }
0x2b: {  	_ =	swait.ge [sflag:s29], $0x1  }
0x2c: {  	[sflag:s29] =	ssyncadd.s32 $0xFFFFFFFF  }
0x2d: {  	_ =	strace $0x9000004B  }
0x2e: {  	_ =	sfence  }
0x2f: {  	s30 =	sld [smem:$0x0];
	_ =	sdelay $0x2  }
0x30: {  	s31 =	sshll.u32 s1, $0xD;
	s1 =	sshrl.u32 s1, $0x2  }
0x31: {  	s3 =	sand.u32 $0x4000, s31;
	s1 =	sadd.s32 s1, s30  }
0x32: {  	s0 =	sor.u32 s3, s0;
	s1 =	sshll.u32 s1, $0x11  }
0x33: {  	s0 =	sor.u32 s1, s0  }
0x34: {  	s0 =	sadd.s32 $0x8F2B, s0  }
0x35: {  	[sflag:s0] =	ssyncadd.remote.s32 $0x1  }
0x36: {  	_ =	sfence.sel $0xFFFF  }
0x37: {  	[dreg:$0x0] =	wrdreg $0xFFFFFFFF;
	(pc) =	sbr.abs _section_cstart, $3  }
0x38: {  	[dreg:$0x1] =	wrdreg $0xFFFFFFFF  }
0x39: {  	_ =	task.clear_ibuf [dreg:s7], $0x2FFFF;
	_ =	strace $0x9FFFFFFF  }
0x3a: {  	(tm) =	ssettm $0x7FFFFFFF  }
0x3b: {  	_ =	shalt  }
tec
execute0_lowered:
.L_overlay_start_1:
0x0: {  	(tag) =	ssettag $0x1  }
0x1: {  	s0 =	srdreg.scid  }
0x2: {  	s1 =	sshll.u32 s0, $0x4  }
0x3: {  	s0 =	stileid.u32;
	s1 =	sand.u32 $0x10, s1  }
0x4: {  	s1 =	sor.u32 s0, s1  }
0x5: {  	s6 =	rddreg [dreg:$0x0];
	s4 =	simm.s32 $0x1;
	s2 =	sshll.u32 s1, $0x7  }
0x6: {  	s7 =	simm.s32 $0x2;
	s12 =	simm.s32 $0x0;
	s1 =	ssub.s32 $0x1000, s2  }
0x7: {  	s8 =	simm.s32 $0x8000;
	s13 =	simm.s32 $0x0;
	s3 =	sand.u32 $0xF80, s1  }
0x8: {  	s9 =	simm.s32 $0x0;
	s5 =	sshrl.u32 s1, $0xC;
	p0 =	sne.s32 s3, $0x0  }
.Ltmp0:
0x9: {  	s1 =	rddreg [dreg:$0x2];
	s4 =	simm.s32 @!p0 $0x0;
	(pc) =	sbr.rel .LBB1_1-.Ltmp0, $4  }
0xa: {  	s11 =	simm.s32 $0x0;
	s3 =	rddreg [dreg:$0x1];
	s5 =	sadd.s32 s4, s5  }
0xb: {  	_ =	strace $0x8000004A;
	s4 =	simm.s32 $0x1;
	s5 =	smul.u32 $0xC8, s5  }
0xc: {  	s6 =	sadd.s32 $0xA00, s6;
	s10 =	smov.u32 s2;
	[sflag:s4] =	ssyncpa.u1 $0x0  }
0xd: {  	p0 =	por $0x0, $0x0;
	[sflag:s7] =	ssyncpa.u1 $0x0;
	s7 =	sor.u32 $0x1, s5  }
.LBB1_4:
0xe: {  	s16 =	sshll.u32 s13, $0x3;
	s17 =	sand.u32 $0x78, s13  }
0xf: {  	s30 =	sand.u32 $0x7E00, s13;
	s12 =	sshll.u32 s12, $0xF;
	s16 =	sand.u32 $0xC00, s16  }
0x10: {  	[tilespmem:s15+$0x810 ss:$0x81] =	vst.msk $0xffff, v2;
	s31 =	sand.u32 $0x7, s13;
	s16 =	sor.u32 s17, s16;
	s17 =	sadd.s32 s3, s30  }
0x11: {  	[tilespmem:s15+$0x1020 ss:$0x81] =	vst.msk $0xffff, v0;
	s13 =	sshll.u32 s31, $0x12;
	s12 =	sadd.s32 s12, s17;
	s16 =	sshrl.u32 s16, $0x3  }
0x12: {  	[tilespmem:s15+$0x0 ss:$0x81] =	vst.msk $0xffff, v1;
	s13 =	sor.u32 $0x400, s13;
	s12 =	sadd.s32 s16, s12  }
0x13: {  	[hbm4b:s12+s13] =	stream.strided.scatter [tilespmem:s14], [sflag:$0x2], $0x2000, s8, s13, $0x20;
	[tilespmem:$0x8080] =	vst v63  }
.LBB1_5:
0x14: {  	s14 =	sadd.s32 $0x1, s9  }
0x15: {  	s12 =	sadd.s32 $0x1000, s10;
	s16 =	smov.u32 s10;
	p2 =	sgt.s32 s14, $0xC7  }
0x16: {  	s16 =	smov.u32 @p2 s12  }
0x17: {  	s14 =	simm.s32 @p2 $0x0;
	p2 =	sgt.s32 s16, $0xFFF  }
0x18: {  	s16 =	smov.u32 @p2 s2;
	p2 =	sne.s32 s11, s7  }
.Ltmp1:
0x19: {  	p1 =	slt.u32 s11, $0x2;
	(pc) =	sbr.rel @!p2 .LBB1_6-.Ltmp1, $4  }
0x1a: {  	s15 =	simm.s32 @!p1 $0x2  }
0x1b: {  	s13 =	smov.u32 s10;
	p0 =	por !p0, !p0;
	_ =	swait.ge @!p1 [sflag:s15], $0x2000  }
0x1c: {  	s12 =	smov.u32 s9;
	[sflag:s15] =	ssyncset.done @!p1 $0x0;
	s9 =	smov.u32 s14  }
0x1d: {  	s11 =	sadd.s32 $0x1, s11;
	[sflag:s15] =	ssyncadd.s32 @!p1 $0xFFFFE000;
	s10 =	smov.u32 s16  }
.LBB1_1:
0x1e: {  	p1 =	sge.u32 s11, s5  }
0x1f: {  	s14 =	sand.u32 @!p1 $0x1FFFFFF, s9  }
0x20: {  	s15 =	smulhi.u32 @!p1 $0x147AE15, s14;
	_ =	sdelay $0x1  }
0x21: {  	s15 =	smul.u32 @!p1 $0xC8, s15  }
0x22: {  	s16 =	sxor.u32 @!p1 $0xFFFFFFFF, s11;
	s17 =	smul.u32 @!p1 $0xC80, s10  }
0x23: {  	s31 =	sadd.s32 $0xFFFFFFFF, s11;
	s16 =	sshll.u32 @!p1 s16, $0xD;
	s14 =	ssub.s32 @!p1 s14, s15  }
0x24: {  	s15 =	sand.u32 @!p1 $0x2000, s16;
	s16 =	sadd.s32 @!p1 s6, s17;
	s14 =	sshll.u32 @!p1 s14, $0x4  }
0x25: {  	s17 =	simm.s32 @!p1 $0x6400;
	s14 =	sadd.s32 @!p1 s14, s16;
	s16 =	simm.s32 @!p1 $0x40  }
0x26: {  	[tilespmem:s15], [sflag:$0x1] =	stream.strided.gather @!p1 [hbm4b:s14+s16], $0x2000, s17, s16, $0x38;
	[tilespmem:$0x8080] =	vst v63  }
0x27: {  	p1 =	sge.u32 s31, s5  }
.Ltmp2:
0x28: {  	_ = 	snop;
	(pc) =	sbr.rel @p1 .LBB1_5-.Ltmp2, $1  }
0x29: {  	_ =	sdelay $0x3  }
0x2a: {  	s14 =	simm.s32 $0x1  }
0x2b: {  	_ =	swait.ge [sflag:s4], $0x2000;
	s14 =	simm.s32 @!p0 $0x0  }
0x2c: {  	[sflag:s4] =	ssyncset.done $0x0;
	s15 =	sshll.u32 s14, $0xD  }
0x2d: {  	[sflag:s4] =	ssyncadd.s32 $0xFFFFE000;
	s18 =	sor.u32 $0x20, s15  }
0x2e: {  	s14 =	smul.u32 $0x8100, s14;
	v3 =	vld [tilespmem:s18+$0x10]  }
0x2f: {  	s30 =	sand.u32 $0x1, s11;
	v2 =	vld [tilespmem:s18+$0xFFFFFFF0]  }
0x30: {  	s15 =	smul.u32 $0x8100, s30;
	s14 =	sshrl.u32 s14, $0x2;
	v0 =	vld [tilespmem:s18+$0x0]  }
0x31: {  	v1 =	vld [tilespmem:s18+$0xFFFFFFE0];
	s16 =	sor.u32 $0x4000, s14  }
0x32: {  	s31 =	sshrl.u32 s15, $0x2;
	s15 =	sadd.s32 $0x0, s16  }
0x33: {  	s17 =	simm.s32 $0x4;
	s18 =	sadd.s32 $0x40, s18;
	s14 =	sor.u32 $0x4000, s31;
	[tilespmem:s15+$0x1830 ss:$0x81] =	vst.msk $0xffff, v3  }
.LBB1_3:
0x34: {  	v3 =	vld [tilespmem:s18+$0x10];
	p1 =	sne.s32 s17, $0x1FC;
	[tilespmem:s15+$0x810 ss:$0x81] =	vst.msk $0xffff, v2;
	s19 =	smov.u32 s17;
	s17 =	sadd.s32 $0x4, s17  }
.Ltmp3:
0x35: {  	v2 =	vld [tilespmem:s18+$0xFFFFFFF0];
	[tilespmem:s15+$0x1020 ss:$0x81] =	vst.msk $0xffff, v0;
	(pc) =	sbr.rel @p1 .LBB1_3-.Ltmp3, $4  }
0x36: {  	v0 =	vld [tilespmem:s18+$0x0];
	[tilespmem:s15+$0x0 ss:$0x81] =	vst.msk $0xffff, v1  }
0x37: {  	s15 =	sshra.s32 s19, $0x2;
	v1 =	vld [tilespmem:s18+$0xFFFFFFE0]  }
0x38: {  	s15 =	sadd.s32 s15, s16  }
0x39: {  	s18 =	sadd.s32 $0x40, s18;
	[tilespmem:s15+$0x1830 ss:$0x81] =	vst.msk $0xffff, v3  }
.Ltmp4:
0x3a: {  	_ = 	snop;
	(pc) =	sbr.rel .LBB1_4-.Ltmp4, $1  }
0x3b: {  	_ =	sdelay $0x3  }
.LBB1_6:
0x3c: {  	_ =	sfence.sel $0x180000  }
0x3d: {  	s2 =	simm.s32 $0x1;
	[bflag:$0x0] =	sbarrier.arrive $0xFFFF  }
0x3e: {  	s31 =	simm.s32 $0x2;
	[sflag:s2] =	ssyncpa.u1 $0x1  }
0x3f: {  	[sflag:s31] =	ssyncpa.u1 $0x1  }
0x40: {  	p0 =	sne.s32 s0, $0x0;
	_ =	strace $0x9000004A  }
0x41: {  	s0 =	sadd.s32 @!p0 $0x100000, s1;
	[bflag:$0x2] =	sbarrier.arrive $0xFFFF  }
0x42: {  	[sflag:s0] =	ssyncadd.tile.s32 @!p0 $0x1;
	_ =	shalt  }
.Lfunc_end1:
_tile_overlayer_lowered:
.L_overlay_start_2:
0x43: {  	(tag) =	ssettag $0x2  }
0x44: {  	s0 =	rddreg [dreg:$0x0];
	s2 =	stileid.u32  }
0x45: {  	s1 =	rddreg [dreg:$0x1];
	p0 =	sne.s32 s2, $0x0  }
0x46: {  	s3 =	rddreg [dreg:$0x2];
	[bflag:$0x3] =	sbarrier.arrive $0xFFFF;
	s2 =	simm.s32 @!p0 $0x1C01  }
0x47: {  	[timem:s3], [sflag:s2] =	dma.local @!p0 [hbm:s0], s1  }
0x48: {  	s0 =	simm.s32 @!p0 $0x1  }
0x49: {  	_ =	swait.ge @!p0 [sflag:s0], s1  }
0x4a: {  	s1 =	ssub.s32 @!p0 $0x0, s1;
	[sflag:s0] =	ssyncset.done @!p0 $0x0  }
0x4b: {  	[sflag:s0] =	ssyncadd.s32 @!p0 s1  }
0x4c: {  	[bflag:$0x3] =	sbarrier.arrive $0xFFFF  }
0x4d: {  	_ =	shalt  }

</sc_bundles>
